<compile_context>
chip_gen: v7x
topology: tpu7x:2x2x1
jax: 0.10.2.dev20260603
libtpu: 0.0.44.dev20260713+nightly
codegen_flags: <defaults>
</compile_context>

<pallas_src>
import functools

import jax
import jax.numpy as jnp
from jax import lax
from jax.experimental import pallas as pl
from jax.experimental.pallas import tpu as pltpu
from jax.experimental.pallas import tpu_sc as plsc

NP = 320000
D = 128
NV = 10000
NC = 2
NS = 16
P = NP // (NC * NS)
K = 128
NFULL = P // K
TAIL = P - NFULL * K
STRIPE = 624
XTRA = NV - NS * STRIPE
CW = 16

_WB = []
_off = 0
while _off < STRIPE:
    _n = min(K, STRIPE - _off)
    _WB.append((_off, _n))
    _off += _n


@functools.partial(
    pl.kernel,
    out_type=(
        jax.ShapeDtypeStruct((NC, NV, D), jnp.float32),
        jax.ShapeDtypeStruct((NC, NV, CW), jnp.float32),
    ),
    mesh=plsc.VectorSubcoreMesh(core_axis_name="c", subcore_axis_name="s"),
    compiler_params=pltpu.CompilerParams(use_tc_tiling_on_sc=False),
    scratch_types=(
        pltpu.VMEM((K, D), jnp.float32),
        pltpu.VMEM((K,), jnp.int32),
        pltpu.VMEM((TAIL,), jnp.int32),
        pltpu.VMEM((K, CW), jnp.float32),
        pltpu.VMEM((K, CW), jnp.float32),
        pltpu.VMEM((STRIPE, CW), jnp.float32),
        pltpu.VMEM_SHARED((NV, D), jnp.float32),
        pltpu.VMEM_SHARED((NV, CW), jnp.float32),
    ),
)
def _sc_segsum(features, coors, sums_out, cnts_out,
               fbuf, idx, idx_tail, ones, czbuf, cbuf, acc, cacc):
    c = lax.axis_index("c")
    s = lax.axis_index("s")
    base = (c * NS + s) * P

    def _fill(i, _):
        for j in range(D // 16):
            fbuf[i, pl.ds(j * 16, 16)] = jnp.zeros((16,), jnp.float32)
        ones[i, :] = jnp.full((CW,), 1.0, jnp.float32)
        czbuf[i, :] = jnp.zeros((CW,), jnp.float32)
        return 0

    lax.fori_loop(0, K, _fill, 0)

    r0 = s * STRIPE
    for off, n in _WB:
        pltpu.sync_copy(fbuf.at[pl.ds(0, n)], acc.at[pl.ds(r0 + off, n)])
        pltpu.sync_copy(czbuf.at[pl.ds(0, n)], cacc.at[pl.ds(r0 + off, n)])

    @pl.when(s == NS - 1)
    def _zero_xtra():
        pltpu.sync_copy(fbuf.at[pl.ds(0, XTRA)], acc.at[pl.ds(NS * STRIPE, XTRA)])
        pltpu.sync_copy(czbuf.at[pl.ds(0, XTRA)], cacc.at[pl.ds(NS * STRIPE, XTRA)])

    plsc.subcore_barrier()

    @pl.loop(0, NFULL, unroll=1)
    def _chunk(i):
        pb = base + i * K
        pltpu.sync_copy(coors.at[pl.ds(pb, K)], idx)
        pltpu.sync_copy(features.at[pl.ds(pb, K)], fbuf)
        pltpu.sync_copy(fbuf, acc.at[idx], add=True)
        pltpu.sync_copy(ones, cacc.at[idx], add=True)

    pb = base + NFULL * K
    pltpu.sync_copy(coors.at[pl.ds(pb, TAIL)], idx_tail)
    pltpu.sync_copy(features.at[pl.ds(pb, TAIL)], fbuf.at[pl.ds(0, TAIL)])
    pltpu.sync_copy(fbuf.at[pl.ds(0, TAIL)], acc.at[idx_tail], add=True)
    pltpu.sync_copy(ones.at[pl.ds(0, TAIL)], cacc.at[idx_tail], add=True)

    plsc.subcore_barrier()

    for off, n in _WB:
        pltpu.sync_copy(acc.at[pl.ds(r0 + off, n)], fbuf.at[pl.ds(0, n)])
        pltpu.sync_copy(fbuf.at[pl.ds(0, n)], sums_out.at[c, pl.ds(r0 + off, n)])
    pltpu.sync_copy(cacc.at[pl.ds(r0, STRIPE)], cbuf)
    pltpu.sync_copy(cbuf, cnts_out.at[c, pl.ds(r0, STRIPE)])

    @pl.when(s == NS - 1)
    def _wb_xtra():
        xr = NS * STRIPE
        pltpu.sync_copy(acc.at[pl.ds(xr, XTRA)], fbuf.at[pl.ds(0, XTRA)])
        pltpu.sync_copy(fbuf.at[pl.ds(0, XTRA)], sums_out.at[c, pl.ds(xr, XTRA)])
        pltpu.sync_copy(cacc.at[pl.ds(xr, XTRA)], cbuf.at[pl.ds(0, XTRA)])
        pltpu.sync_copy(cbuf.at[pl.ds(0, XTRA)], cnts_out.at[c, pl.ds(xr, XTRA)])


BR = 2000


def _combine_body(s2_ref, c2_ref, out_ref):
    sums = s2_ref[0] + s2_ref[1]
    cnt = c2_ref[0, :, 0:1] + c2_ref[1, :, 0:1]
    out_ref[...] = sums / jnp.maximum(cnt, 1.0)


_combine = pl.pallas_call(
    _combine_body,
    grid=(NV // BR,),
    in_specs=[
        pl.BlockSpec((NC, BR, D), lambda i: (0, i, 0)),
        pl.BlockSpec((NC, BR, CW), lambda i: (0, i, 0)),
    ],
    out_specs=pl.BlockSpec((BR, D), lambda i: (i, 0)),
    out_shape=jax.ShapeDtypeStruct((NV, D), jnp.float32),
)


def kernel(features, coors):
    sums2, cnts2 = _sc_segsum(features, coors)
    voxel_features = _combine(sums2, cnts2)
    features_coors = jnp.arange(NV, dtype=coors.dtype)
    return (voxel_features, features_coors)

# --- scband reference (transcript-rebuilt; emitter-appended) ---
"""Pipeline reference for scband-dynamic-simple-vfe-26834955665464 (READ-ONLY COPY).

The authoritative reference and input builder live on the scoring server;
editing this copy changes nothing except your own understanding.
"""

import jax, jax.numpy as jnp
import numpy as np

NUM_POINTS = 320000
D_FEAT = 128
NUM_VOXELS = 10000

def setup_inputs(seed: int = 0) -> dict:
    key = jax.random.key(seed)
    k1, k2 = jax.random.split(key)
    features = jax.random.normal(k1, (NUM_POINTS, D_FEAT), dtype=jnp.float32)
    coors = jnp.sort(jax.random.randint(k2, (NUM_POINTS,), 0, NUM_VOXELS, dtype=jnp.int32))
    return {"features": features, "coors": coors}

def reference(features, coors):
    # DynamicSimpleVFE: Scatter(coors).reduce(features, 'mean')
    # Scatter-mean of per-point features into their voxel (segment id given by coors).
    num_segments = NUM_VOXELS
    sums = jax.ops.segment_sum(features, coors, num_segments=num_segments)
    counts = jax.ops.segment_sum(jnp.ones((features.shape[0],), dtype=features.dtype), coors, num_segments=num_segments)
    voxel_features = sums / jnp.maximum(counts, 1.0)[:, None]
    # features_coors: the voxel coordinate for each output row (unique coors).
    # With dense segment ids 0..num_segments-1 this is simply arange.
    features_coors = jnp.arange(num_segments, dtype=coors.dtype)
    return (voxel_features, features_coors)

if __name__ == "__main__":
    import jax
    _d = setup_inputs()
    print(jax.jit(kernel)(*tuple(_d.values())))

</pallas_src>

<mosaic_0001>
#map = affine_map<(d0, d1) -> (0, 0)>
#map1 = affine_map<(d0, d1) -> (0)>
#map2 = affine_map<(d0, d1) -> (0, 0, 0)>
module attributes {stable_mosaic.version = 14 : i64} {
  func.func @_sc_segsum(%arg0: i32, %arg1: i32, %arg2: memref<320000x128xf32, #tpu.memory_space<hbm>>, %arg3: memref<320000xi32, #tpu.memory_space<hbm>>, %arg4: memref<2x10000x128xf32, #tpu.memory_space<hbm>>, %arg5: memref<2x10000x16xf32, #tpu.memory_space<hbm>>, %arg6: memref<128x128xf32, #tpu.memory_space<vmem>>, %arg7: memref<128xi32, #tpu.memory_space<vmem>>, %arg8: memref<16xi32, #tpu.memory_space<vmem>>, %arg9: memref<128x16xf32, #tpu.memory_space<vmem>>, %arg10: memref<128x16xf32, #tpu.memory_space<vmem>>, %arg11: memref<624x16xf32, #tpu.memory_space<vmem>>, %arg12: memref<10000x128xf32, #tpu.memory_space<vmem_shared>>, %arg13: memref<10000x16xf32, #tpu.memory_space<vmem_shared>>) attributes {dimension_semantics = [#tpu.dimension_semantics<core_parallel>, #tpu.dimension_semantics<subcore_parallel>], iteration_bounds = array<i64: 2, 16>, scalar_prefetch = 0 : i64, scratch_operands = 8 : i64, tpu.core_type = #tpu.core_type<sc_vector_subcore>, window_params = [{transform_indices = #map}, {transform_indices = #map1}, {transform_indices = #map2}, {transform_indices = #map2}]} {
    %mul3A = arith.constant 16 : i32
    %mul3A_0 = arith.muli %arg0, %mul3A : i32
    %add3A = arith.addi %mul3A_0, %arg1 : i32
    %mul3A_1 = arith.constant 10000 : i32
    %mul3A_2 = arith.muli %add3A, %mul3A_1 : i32
    %scan3A = arith.constant 0 : i32
    %scan3A_3 = arith.constant 0 : i32
    %scan3A_4 = arith.constant 128 : i32
    %scan3A_5 = arith.addi %scan3A_3, %scan3A_4 : i32
    %scan3A_6 = arith.constant 1 : i32
    %scan3A_7 = scf.for %scan3A_66 = %scan3A_3 to %scan3A_5 step %scan3A_6 iter_args(%scan3A_67 = %scan3A) -> (i32)  : i32 {
      %broadcast_in_dim3A = arith.constant 0.000000e+00 : f32
      %broadcast_in_dim3A_68 = vector.broadcast %broadcast_in_dim3A : f32 to vector<16xf32>
      %swap3A = arith.index_cast %scan3A_66 : i32 to index
      %swap3A_69 = arith.constant 0 : index
      %swap3A_70 = tpu.vector_load %arg6[%swap3A, %swap3A_69] {strides = array<i32>} : memref<128x128xf32, #tpu.memory_space<vmem>>, vector<1x16xf32>,
      %swap3A_71 = vector.shape_cast %swap3A_70 : vector<1x16xf32> to vector<16xf32>
      %swap3A_72 = vector.shape_cast %broadcast_in_dim3A_68 : vector<16xf32> to vector<1x16xf32>
      tpu.vector_store %arg6[%swap3A, %swap3A_69], %swap3A_72 {strides = array<i32>} : memref<128x128xf32, #tpu.memory_space<vmem>>, vector<1x16xf32>,
      %broadcast_in_dim3A_73 = arith.constant 0.000000e+00 : f32
      %broadcast_in_dim3A_74 = vector.broadcast %broadcast_in_dim3A_73 : f32 to vector<16xf32>
      %swap3A_75 = arith.index_cast %scan3A_66 : i32 to index
      %swap3A_76 = arith.constant 16 : index
      %swap3A_77 = tpu.vector_load %arg6[%swap3A_75, %swap3A_76] {strides = array<i32>} : memref<128x128xf32, #tpu.memory_space<vmem>>, vector<1x16xf32>,
      %swap3A_78 = vector.shape_cast %swap3A_77 : vector<1x16xf32> to vector<16xf32>
      %swap3A_79 = vector.shape_cast %broadcast_in_dim3A_74 : vector<16xf32> to vector<1x16xf32>
      tpu.vector_store %arg6[%swap3A_75, %swap3A_76], %swap3A_79 {strides = array<i32>} : memref<128x128xf32, #tpu.memory_space<vmem>>, vector<1x16xf32>,
      %broadcast_in_dim3A_80 = arith.constant 0.000000e+00 : f32
      %broadcast_in_dim3A_81 = vector.broadcast %broadcast_in_dim3A_80 : f32 to vector<16xf32>
      %swap3A_82 = arith.index_cast %scan3A_66 : i32 to index
      %swap3A_83 = arith.constant 32 : index
      %swap3A_84 = tpu.vector_load %arg6[%swap3A_82, %swap3A_83] {strides = array<i32>} : memref<128x128xf32, #tpu.memory_space<vmem>>, vector<1x16xf32>,
      %swap3A_85 = vector.shape_cast %swap3A_84 : vector<1x16xf32> to vector<16xf32>
      %swap3A_86 = vector.shape_cast %broadcast_in_dim3A_81 : vector<16xf32> to vector<1x16xf32>
      tpu.vector_store %arg6[%swap3A_82, %swap3A_83], %swap3A_86 {strides = array<i32>} : memref<128x128xf32, #tpu.memory_space<vmem>>, vector<1x16xf32>,
      %broadcast_in_dim3A_87 = arith.constant 0.000000e+00 : f32
      %broadcast_in_dim3A_88 = vector.broadcast %broadcast_in_dim3A_87 : f32 to vector<16xf32>
      %swap3A_89 = arith.index_cast %scan3A_66 : i32 to index
      %swap3A_90 = arith.constant 48 : index
      %swap3A_91 = tpu.vector_load %arg6[%swap3A_89, %swap3A_90] {strides = array<i32>} : memref<128x128xf32, #tpu.memory_space<vmem>>, vector<1x16xf32>,
      %swap3A_92 = vector.shape_cast %swap3A_91 : vector<1x16xf32> to vector<16xf32>
      %swap3A_93 = vector.shape_cast %broadcast_in_dim3A_88 : vector<16xf32> to vector<1x16xf32>
      tpu.vector_store %arg6[%swap3A_89, %swap3A_90], %swap3A_93 {strides = array<i32>} : memref<128x128xf32, #tpu.memory_space<vmem>>, vector<1x16xf32>,
      %broadcast_in_dim3A_94 = arith.constant 0.000000e+00 : f32
      %broadcast_in_dim3A_95 = vector.broadcast %broadcast_in_dim3A_94 : f32 to vector<16xf32>
      %swap3A_96 = arith.index_cast %scan3A_66 : i32 to index
      %swap3A_97 = arith.constant 64 : index
      %swap3A_98 = tpu.vector_load %arg6[%swap3A_96, %swap3A_97] {strides = array<i32>} : memref<128x128xf32, #tpu.memory_space<vmem>>, vector<1x16xf32>,
      %swap3A_99 = vector.shape_cast %swap3A_98 : vector<1x16xf32> to vector<16xf32>
      %swap3A_100 = vector.shape_cast %broadcast_in_dim3A_95 : vector<16xf32> to vector<1x16xf32>
      tpu.vector_store %arg6[%swap3A_96, %swap3A_97], %swap3A_100 {strides = array<i32>} : memref<128x128xf32, #tpu.memory_space<vmem>>, vector<1x16xf32>,
      %broadcast_in_dim3A_101 = arith.constant 0.000000e+00 : f32
      %broadcast_in_dim3A_102 = vector.broadcast %broadcast_in_dim3A_101 : f32 to vector<16xf32>
      %swap3A_103 = arith.index_cast %scan3A_66 : i32 to index
      %swap3A_104 = arith.constant 80 : index
      %swap3A_105 = tpu.vector_load %arg6[%swap3A_103, %swap3A_104] {strides = array<i32>} : memref<128x128xf32, #tpu.memory_space<vmem>>, vector<1x16xf32>,
      %swap3A_106 = vector.shape_cast %swap3A_105 : vector<1x16xf32> to vector<16xf32>
      %swap3A_107 = vector.shape_cast %broadcast_in_dim3A_102 : vector<16xf32> to vector<1x16xf32>
      tpu.vector_store %arg6[%swap3A_103, %swap3A_104], %swap3A_107 {strides = array<i32>} : memref<128x128xf32, #tpu.memory_space<vmem>>, vector<1x16xf32>,
      %broadcast_in_dim3A_108 = arith.constant 0.000000e+00 : f32
      %broadcast_in_dim3A_109 = vector.broadcast %broadcast_in_dim3A_108 : f32 to vector<16xf32>
      %swap3A_110 = arith.index_cast %scan3A_66 : i32 to index
      %swap3A_111 = arith.constant 96 : index
      %swap3A_112 = tpu.vector_load %arg6[%swap3A_110, %swap3A_111] {strides = array<i32>} : memref<128x128xf32, #tpu.memory_space<vmem>>, vector<1x16xf32>,
      %swap3A_113 = vector.shape_cast %swap3A_112 : vector<1x16xf32> to vector<16xf32>
      %swap3A_114 = vector.shape_cast %broadcast_in_dim3A_109 : vector<16xf32> to vector<1x16xf32>
      tpu.vector_store %arg6[%swap3A_110, %swap3A_111], %swap3A_114 {strides = array<i32>} : memref<128x128xf32, #tpu.memory_space<vmem>>, vector<1x16xf32>,
      %broadcast_in_dim3A_115 = arith.constant 0.000000e+00 : f32
      %broadcast_in_dim3A_116 = vector.broadcast %broadcast_in_dim3A_115 : f32 to vector<16xf32>
      %swap3A_117 = arith.index_cast %scan3A_66 : i32 to index
      %swap3A_118 = arith.constant 112 : index
      %swap3A_119 = tpu.vector_load %arg6[%swap3A_117, %swap3A_118] {strides = array<i32>} : memref<128x128xf32, #tpu.memory_space<vmem>>, vector<1x16xf32>,
      %swap3A_120 = vector.shape_cast %swap3A_119 : vector<1x16xf32> to vector<16xf32>
      %swap3A_121 = vector.shape_cast %broadcast_in_dim3A_116 : vector<16xf32> to vector<1x16xf32>
      tpu.vector_store %arg6[%swap3A_117, %swap3A_118], %swap3A_121 {strides = array<i32>} : memref<128x128xf32, #tpu.memory_space<vmem>>, vector<1x16xf32>,
      %broadcast_in_dim3A_122 = arith.constant 1.000000e+00 : f32
      %broadcast_in_dim3A_123 = vector.broadcast %broadcast_in_dim3A_122 : f32 to vector<16xf32>
      %swap3A_124 = arith.index_cast %scan3A_66 : i32 to index
      %swap3A_125 = arith.constant 0 : index
      %swap3A_126 = tpu.vector_load %arg9[%swap3A_124, %swap3A_125] {strides = array<i32>} : memref<128x16xf32, #tpu.memory_space<vmem>>, vector<1x16xf32>,
      %swap3A_127 = vector.shape_cast %swap3A_126 : vector<1x16xf32> to vector<16xf32>
      %swap3A_128 = vector.shape_cast %broadcast_in_dim3A_123 : vector<16xf32> to vector<1x16xf32>
      tpu.vector_store %arg9[%swap3A_124, %swap3A_125], %swap3A_128 {strides = array<i32>} : memref<128x16xf32, #tpu.memory_space<vmem>>, vector<1x16xf32>,
      %broadcast_in_dim3A_129 = arith.constant 0.000000e+00 : f32
      %broadcast_in_dim3A_130 = vector.broadcast %broadcast_in_dim3A_129 : f32 to vector<16xf32>
      %swap3A_131 = arith.index_cast %scan3A_66 : i32 to index
      %swap3A_132 = arith.constant 0 : index
      %swap3A_133 = tpu.vector_load %arg10[%swap3A_131, %swap3A_132] {strides = array<i32>} : memref<128x16xf32, #tpu.memory_space<vmem>>, vector<1x16xf32>,
      %swap3A_134 = vector.shape_cast %swap3A_133 : vector<1x16xf32> to vector<16xf32>
      %swap3A_135 = vector.shape_cast %broadcast_in_dim3A_130 : vector<16xf32> to vector<1x16xf32>
      tpu.vector_store %arg10[%swap3A_131, %swap3A_132], %swap3A_135 {strides = array<i32>} : memref<128x16xf32, #tpu.memory_space<vmem>>, vector<1x16xf32>,
      %scan3A_136 = arith.constant 0 : i32
      scf.yield %scan3A_136 : i32
    }
    %scan3A_8 = arith.constant 128 : i32
    %mul3A_9 = arith.constant 624 : i32
    %mul3A_10 = arith.muli %arg1, %mul3A_9 : i32
    %add3A_11 = arith.constant 0 : i32
    %add3A_12 = arith.addi %mul3A_10, %add3A_11 : i32
    "tpu.region"() ({
      %run_scoped3A = tpu.sem_alloc : memref<!tpu.dma_semaphore, #tpu.memory_space<semaphore_mem>>
      %dma_start3A = arith.constant 0 : i32
      %dma_start3A_66 = arith.constant 0 : i32
      %dma_start3A_67 = tpu.memref_slice %arg6[%dma_start3A, %dma_start3A_66] : memref<128x128xf32, #tpu.memory_space<vmem>> -> memref<128x128xf32, #tpu.memory_space<vmem>>
      %dma_start3A_68 = arith.constant 0 : i32
      %dma_start3A_69 = tpu.memref_slice %arg12[%add3A_12, %dma_start3A_68] : memref<10000x128xf32, #tpu.memory_space<vmem_shared>> -> memref<128x128xf32, #tpu.memory_space<vmem_shared>>
      %dma_start3A_70 = arith.constant 0 : i32
      %dma_start3A_71 = tpu.memref_slice %arg12[%add3A_12, %dma_start3A_70] : memref<10000x128xf32, #tpu.memory_space<vmem_shared>> -> memref<128x128xf32, #tpu.memory_space<vmem_shared>>
      %dma_start3A_72 = arith.constant 0 : i32
      %dma_start3A_73 = arith.constant 0 : i32
      %dma_start3A_74 = tpu.memref_slice %arg6[%dma_start3A_72, %dma_start3A_73] : memref<128x128xf32, #tpu.memory_space<vmem>> -> memref<128x128xf32, #tpu.memory_space<vmem>>
      tpu.enqueue_dma source(%dma_start3A_74 : memref<128x128xf32, #tpu.memory_space<vmem>>) target(%dma_start3A_71 : memref<128x128xf32, #tpu.memory_space<vmem_shared>>) target_semaphore(%run_scoped3A : memref<!tpu.dma_semaphore, #tpu.memory_space<semaphore_mem>>)
      %dma_wait3A = arith.constant 0 : i32
      %dma_wait3A_75 = arith.constant 0 : i32
      %dma_wait3A_76 = tpu.memref_slice %arg6[%dma_wait3A, %dma_wait3A_75] : memref<128x128xf32, #tpu.memory_space<vmem>> -> memref<128x128xf32, #tpu.memory_space<vmem>>
      %dma_wait3A_77 = arith.constant 0 : i32
      %dma_wait3A_78 = tpu.memref_slice %arg12[%add3A_12, %dma_wait3A_77] : memref<10000x128xf32, #tpu.memory_space<vmem_shared>> -> memref<128x128xf32, #tpu.memory_space<vmem_shared>>
      %dma_wait3A_79 = arith.constant 0 : i32
      %dma_wait3A_80 = tpu.memref_slice %arg12[%add3A_12, %dma_wait3A_79] : memref<10000x128xf32, #tpu.memory_space<vmem_shared>> -> memref<128x128xf32, #tpu.memory_space<vmem_shared>>
      %dma_wait3A_81 = arith.constant 0 : i32
      %dma_wait3A_82 = arith.constant 0 : i32
      %dma_wait3A_83 = tpu.memref_slice %arg6[%dma_wait3A_81, %dma_wait3A_82] : memref<128x128xf32, #tpu.memory_space<vmem>> -> memref<128x128xf32, #tpu.memory_space<vmem>>
      tpu.wait_dma2 semaphore(%run_scoped3A : memref<!tpu.dma_semaphore, #tpu.memory_space<semaphore_mem>>) src(%dma_wait3A_83 : memref<128x128xf32, #tpu.memory_space<vmem>>) dst(%dma_wait3A_80 : memref<128x128xf32, #tpu.memory_space<vmem_shared>>)
      tpu.yield
    }) : () -> ()
    %add3A_13 = arith.constant 0 : i32
    %add3A_14 = arith.addi %mul3A_10, %add3A_13 : i32
    "tpu.region"() ({
      %run_scoped3A = tpu.sem_alloc : memref<!tpu.dma_semaphore, #tpu.memory_space<semaphore_mem>>
      %dma_start3A = arith.constant 0 : i32
      %dma_start3A_66 = arith.constant 0 : i32
      %dma_start3A_67 = tpu.memref_slice %arg10[%dma_start3A, %dma_start3A_66] : memref<128x16xf32, #tpu.memory_space<vmem>> -> memref<128x16xf32, #tpu.memory_space<vmem>>
      %dma_start3A_68 = arith.constant 0 : i32
      %dma_start3A_69 = tpu.memref_slice %arg13[%add3A_14, %dma_start3A_68] : memref<10000x16xf32, #tpu.memory_space<vmem_shared>> -> memref<128x16xf32, #tpu.memory_space<vmem_shared>>
      %dma_start3A_70 = arith.constant 0 : i32
      %dma_start3A_71 = tpu.memref_slice %arg13[%add3A_14, %dma_start3A_70] : memref<10000x16xf32, #tpu.memory_space<vmem_shared>> -> memref<128x16xf32, #tpu.memory_space<vmem_shared>>
      %dma_start3A_72 = arith.constant 0 : i32
      %dma_start3A_73 = arith.constant 0 : i32
      %dma_start3A_74 = tpu.memref_slice %arg10[%dma_start3A_72, %dma_start3A_73] : memref<128x16xf32, #tpu.memory_space<vmem>> -> memref<128x16xf32, #tpu.memory_space<vmem>>
      tpu.enqueue_dma source(%dma_start3A_74 : memref<128x16xf32, #tpu.memory_space<vmem>>) target(%dma_start3A_71 : memref<128x16xf32, #tpu.memory_space<vmem_shared>>) target_semaphore(%run_scoped3A : memref<!tpu.dma_semaphore, #tpu.memory_space<semaphore_mem>>)
      %dma_wait3A = arith.constant 0 : i32
      %dma_wait3A_75 = arith.constant 0 : i32
      %dma_wait3A_76 = tpu.memref_slice %arg10[%dma_wait3A, %dma_wait3A_75] : memref<128x16xf32, #tpu.memory_space<vmem>> -> memref<128x16xf32, #tpu.memory_space<vmem>>
      %dma_wait3A_77 = arith.constant 0 : i32
      %dma_wait3A_78 = tpu.memref_slice %arg13[%add3A_14, %dma_wait3A_77] : memref<10000x16xf32, #tpu.memory_space<vmem_shared>> -> memref<128x16xf32, #tpu.memory_space<vmem_shared>>
      %dma_wait3A_79 = arith.constant 0 : i32
      %dma_wait3A_80 = tpu.memref_slice %arg13[%add3A_14, %dma_wait3A_79] : memref<10000x16xf32, #tpu.memory_space<vmem_shared>> -> memref<128x16xf32, #tpu.memory_space<vmem_shared>>
      %dma_wait3A_81 = arith.constant 0 : i32
      %dma_wait3A_82 = arith.constant 0 : i32
      %dma_wait3A_83 = tpu.memref_slice %arg10[%dma_wait3A_81, %dma_wait3A_82] : memref<128x16xf32, #tpu.memory_space<vmem>> -> memref<128x16xf32, #tpu.memory_space<vmem>>
      tpu.wait_dma2 semaphore(%run_scoped3A : memref<!tpu.dma_semaphore, #tpu.memory_space<semaphore_mem>>) src(%dma_wait3A_83 : memref<128x16xf32, #tpu.memory_space<vmem>>) dst(%dma_wait3A_80 : memref<128x16xf32, #tpu.memory_space<vmem_shared>>)
      tpu.yield
    }) : () -> ()
    %add3A_15 = arith.constant 128 : i32
    %add3A_16 = arith.addi %mul3A_10, %add3A_15 : i32
    "tpu.region"() ({
      %run_scoped3A = tpu.sem_alloc : memref<!tpu.dma_semaphore, #tpu.memory_space<semaphore_mem>>
      %dma_start3A = arith.constant 0 : i32
      %dma_start3A_66 = arith.constant 0 : i32
      %dma_start3A_67 = tpu.memref_slice %arg6[%dma_start3A, %dma_start3A_66] : memref<128x128xf32, #tpu.memory_space<vmem>> -> memref<128x128xf32, #tpu.memory_space<vmem>>
      %dma_start3A_68 = arith.constant 0 : i32
      %dma_start3A_69 = tpu.memref_slice %arg12[%add3A_16, %dma_start3A_68] : memref<10000x128xf32, #tpu.memory_space<vmem_shared>> -> memref<128x128xf32, #tpu.memory_space<vmem_shared>>
      %dma_start3A_70 = arith.constant 0 : i32
      %dma_start3A_71 = tpu.memref_slice %arg12[%add3A_16, %dma_start3A_70] : memref<10000x128xf32, #tpu.memory_space<vmem_shared>> -> memref<128x128xf32, #tpu.memory_space<vmem_shared>>
      %dma_start3A_72 = arith.constant 0 : i32
      %dma_start3A_73 = arith.constant 0 : i32
      %dma_start3A_74 = tpu.memref_slice %arg6[%dma_start3A_72, %dma_start3A_73] : memref<128x128xf32, #tpu.memory_space<vmem>> -> memref<128x128xf32, #tpu.memory_space<vmem>>
      tpu.enqueue_dma source(%dma_start3A_74 : memref<128x128xf32, #tpu.memory_space<vmem>>) target(%dma_start3A_71 : memref<128x128xf32, #tpu.memory_space<vmem_shared>>) target_semaphore(%run_scoped3A : memref<!tpu.dma_semaphore, #tpu.memory_space<semaphore_mem>>)
      %dma_wait3A = arith.constant 0 : i32
      %dma_wait3A_75 = arith.constant 0 : i32
      %dma_wait3A_76 = tpu.memref_slice %arg6[%dma_wait3A, %dma_wait3A_75] : memref<128x128xf32, #tpu.memory_space<vmem>> -> memref<128x128xf32, #tpu.memory_space<vmem>>
      %dma_wait3A_77 = arith.constant 0 : i32
      %dma_wait3A_78 = tpu.memref_slice %arg12[%add3A_16, %dma_wait3A_77] : memref<10000x128xf32, #tpu.memory_space<vmem_shared>> -> memref<128x128xf32, #tpu.memory_space<vmem_shared>>
      %dma_wait3A_79 = arith.constant 0 : i32
      %dma_wait3A_80 = tpu.memref_slice %arg12[%add3A_16, %dma_wait3A_79] : memref<10000x128xf32, #tpu.memory_space<vmem_shared>> -> memref<128x128xf32, #tpu.memory_space<vmem_shared>>
      %dma_wait3A_81 = arith.constant 0 : i32
      %dma_wait3A_82 = arith.constant 0 : i32
      %dma_wait3A_83 = tpu.memref_slice %arg6[%dma_wait3A_81, %dma_wait3A_82] : memref<128x128xf32, #tpu.memory_space<vmem>> -> memref<128x128xf32, #tpu.memory_space<vmem>>
      tpu.wait_dma2 semaphore(%run_scoped3A : memref<!tpu.dma_semaphore, #tpu.memory_space<semaphore_mem>>) src(%dma_wait3A_83 : memref<128x128xf32, #tpu.memory_space<vmem>>) dst(%dma_wait3A_80 : memref<128x128xf32, #tpu.memory_space<vmem_shared>>)
      tpu.yield
    }) : () -> ()
    %add3A_17 = arith.constant 128 : i32
    %add3A_18 = arith.addi %mul3A_10, %add3A_17 : i32
    "tpu.region"() ({
      %run_scoped3A = tpu.sem_alloc : memref<!tpu.dma_semaphore, #tpu.memory_space<semaphore_mem>>
      %dma_start3A = arith.constant 0 : i32
      %dma_start3A_66 = arith.constant 0 : i32
      %dma_start3A_67 = tpu.memref_slice %arg10[%dma_start3A, %dma_start3A_66] : memref<128x16xf32, #tpu.memory_space<vmem>> -> memref<128x16xf32, #tpu.memory_space<vmem>>
      %dma_start3A_68 = arith.constant 0 : i32
      %dma_start3A_69 = tpu.memref_slice %arg13[%add3A_18, %dma_start3A_68] : memref<10000x16xf32, #tpu.memory_space<vmem_shared>> -> memref<128x16xf32, #tpu.memory_space<vmem_shared>>
      %dma_start3A_70 = arith.constant 0 : i32
      %dma_start3A_71 = tpu.memref_slice %arg13[%add3A_18, %dma_start3A_70] : memref<10000x16xf32, #tpu.memory_space<vmem_shared>> -> memref<128x16xf32, #tpu.memory_space<vmem_shared>>
      %dma_start3A_72 = arith.constant 0 : i32
      %dma_start3A_73 = arith.constant 0 : i32
      %dma_start3A_74 = tpu.memref_slice %arg10[%dma_start3A_72, %dma_start3A_73] : memref<128x16xf32, #tpu.memory_space<vmem>> -> memref<128x16xf32, #tpu.memory_space<vmem>>
      tpu.enqueue_dma source(%dma_start3A_74 : memref<128x16xf32, #tpu.memory_space<vmem>>) target(%dma_start3A_71 : memref<128x16xf32, #tpu.memory_space<vmem_shared>>) target_semaphore(%run_scoped3A : memref<!tpu.dma_semaphore, #tpu.memory_space<semaphore_mem>>)
      %dma_wait3A = arith.constant 0 : i32
      %dma_wait3A_75 = arith.constant 0 : i32
      %dma_wait3A_76 = tpu.memref_slice %arg10[%dma_wait3A, %dma_wait3A_75] : memref<128x16xf32, #tpu.memory_space<vmem>> -> memref<128x16xf32, #tpu.memory_space<vmem>>
      %dma_wait3A_77 = arith.constant 0 : i32
      %dma_wait3A_78 = tpu.memref_slice %arg13[%add3A_18, %dma_wait3A_77] : memref<10000x16xf32, #tpu.memory_space<vmem_shared>> -> memref<128x16xf32, #tpu.memory_space<vmem_shared>>
      %dma_wait3A_79 = arith.constant 0 : i32
      %dma_wait3A_80 = tpu.memref_slice %arg13[%add3A_18, %dma_wait3A_79] : memref<10000x16xf32, #tpu.memory_space<vmem_shared>> -> memref<128x16xf32, #tpu.memory_space<vmem_shared>>
      %dma_wait3A_81 = arith.constant 0 : i32
      %dma_wait3A_82 = arith.constant 0 : i32
      %dma_wait3A_83 = tpu.memref_slice %arg10[%dma_wait3A_81, %dma_wait3A_82] : memref<128x16xf32, #tpu.memory_space<vmem>> -> memref<128x16xf32, #tpu.memory_space<vmem>>
      tpu.wait_dma2 semaphore(%run_scoped3A : memref<!tpu.dma_semaphore, #tpu.memory_space<semaphore_mem>>) src(%dma_wait3A_83 : memref<128x16xf32, #tpu.memory_space<vmem>>) dst(%dma_wait3A_80 : memref<128x16xf32, #tpu.memory_space<vmem_shared>>)
      tpu.yield
    }) : () -> ()
    %add3A_19 = arith.constant 256 : i32
    %add3A_20 = arith.addi %mul3A_10, %add3A_19 : i32
    "tpu.region"() ({
      %run_scoped3A = tpu.sem_alloc : memref<!tpu.dma_semaphore, #tpu.memory_space<semaphore_mem>>
      %dma_start3A = arith.constant 0 : i32
      %dma_start3A_66 = arith.constant 0 : i32
      %dma_start3A_67 = tpu.memref_slice %arg6[%dma_start3A, %dma_start3A_66] : memref<128x128xf32, #tpu.memory_space<vmem>> -> memref<128x128xf32, #tpu.memory_space<vmem>>
      %dma_start3A_68 = arith.constant 0 : i32
      %dma_start3A_69 = tpu.memref_slice %arg12[%add3A_20, %dma_start3A_68] : memref<10000x128xf32, #tpu.memory_space<vmem_shared>> -> memref<128x128xf32, #tpu.memory_space<vmem_shared>>
      %dma_start3A_70 = arith.constant 0 : i32
      %dma_start3A_71 = tpu.memref_slice %arg12[%add3A_20, %dma_start3A_70] : memref<10000x128xf32, #tpu.memory_space<vmem_shared>> -> memref<128x128xf32, #tpu.memory_space<vmem_shared>>
      %dma_start3A_72 = arith.constant 0 : i32
      %dma_start3A_73 = arith.constant 0 : i32
      %dma_start3A_74 = tpu.memref_slice %arg6[%dma_start3A_72, %dma_start3A_73] : memref<128x128xf32, #tpu.memory_space<vmem>> -> memref<128x128xf32, #tpu.memory_space<vmem>>
      tpu.enqueue_dma source(%dma_start3A_74 : memref<128x128xf32, #tpu.memory_space<vmem>>) target(%dma_start3A_71 : memref<128x128xf32, #tpu.memory_space<vmem_shared>>) target_semaphore(%run_scoped3A : memref<!tpu.dma_semaphore, #tpu.memory_space<semaphore_mem>>)
      %dma_wait3A = arith.constant 0 : i32
      %dma_wait3A_75 = arith.constant 0 : i32
      %dma_wait3A_76 = tpu.memref_slice %arg6[%dma_wait3A, %dma_wait3A_75] : memref<128x128xf32, #tpu.memory_space<vmem>> -> memref<128x128xf32, #tpu.memory_space<vmem>>
      %dma_wait3A_77 = arith.constant 0 : i32
      %dma_wait3A_78 = tpu.memref_slice %arg12[%add3A_20, %dma_wait3A_77] : memref<10000x128xf32, #tpu.memory_space<vmem_shared>> -> memref<128x128xf32, #tpu.memory_space<vmem_shared>>
      %dma_wait3A_79 = arith.constant 0 : i32
      %dma_wait3A_80 = tpu.memref_slice %arg12[%add3A_20, %dma_wait3A_79] : memref<10000x128xf32, #tpu.memory_space<vmem_shared>> -> memref<128x128xf32, #tpu.memory_space<vmem_shared>>
      %dma_wait3A_81 = arith.constant 0 : i32
      %dma_wait3A_82 = arith.constant 0 : i32
      %dma_wait3A_83 = tpu.memref_slice %arg6[%dma_wait3A_81, %dma_wait3A_82] : memref<128x128xf32, #tpu.memory_space<vmem>> -> memref<128x128xf32, #tpu.memory_space<vmem>>
      tpu.wait_dma2 semaphore(%run_scoped3A : memref<!tpu.dma_semaphore, #tpu.memory_space<semaphore_mem>>) src(%dma_wait3A_83 : memref<128x128xf32, #tpu.memory_space<vmem>>) dst(%dma_wait3A_80 : memref<128x128xf32, #tpu.memory_space<vmem_shared>>)
      tpu.yield
    }) : () -> ()
    %add3A_21 = arith.constant 256 : i32
    %add3A_22 = arith.addi %mul3A_10, %add3A_21 : i32
    "tpu.region"() ({
      %run_scoped3A = tpu.sem_alloc : memref<!tpu.dma_semaphore, #tpu.memory_space<semaphore_mem>>
      %dma_start3A = arith.constant 0 : i32
      %dma_start3A_66 = arith.constant 0 : i32
      %dma_start3A_67 = tpu.memref_slice %arg10[%dma_start3A, %dma_start3A_66] : memref<128x16xf32, #tpu.memory_space<vmem>> -> memref<128x16xf32, #tpu.memory_space<vmem>>
      %dma_start3A_68 = arith.constant 0 : i32
      %dma_start3A_69 = tpu.memref_slice %arg13[%add3A_22, %dma_start3A_68] : memref<10000x16xf32, #tpu.memory_space<vmem_shared>> -> memref<128x16xf32, #tpu.memory_space<vmem_shared>>
      %dma_start3A_70 = arith.constant 0 : i32
      %dma_start3A_71 = tpu.memref_slice %arg13[%add3A_22, %dma_start3A_70] : memref<10000x16xf32, #tpu.memory_space<vmem_shared>> -> memref<128x16xf32, #tpu.memory_space<vmem_shared>>
      %dma_start3A_72 = arith.constant 0 : i32
      %dma_start3A_73 = arith.constant 0 : i32
      %dma_start3A_74 = tpu.memref_slice %arg10[%dma_start3A_72, %dma_start3A_73] : memref<128x16xf32, #tpu.memory_space<vmem>> -> memref<128x16xf32, #tpu.memory_space<vmem>>
      tpu.enqueue_dma source(%dma_start3A_74 : memref<128x16xf32, #tpu.memory_space<vmem>>) target(%dma_start3A_71 : memref<128x16xf32, #tpu.memory_space<vmem_shared>>) target_semaphore(%run_scoped3A : memref<!tpu.dma_semaphore, #tpu.memory_space<semaphore_mem>>)
      %dma_wait3A = arith.constant 0 : i32
      %dma_wait3A_75 = arith.constant 0 : i32
      %dma_wait3A_76 = tpu.memref_slice %arg10[%dma_wait3A, %dma_wait3A_75] : memref<128x16xf32, #tpu.memory_space<vmem>> -> memref<128x16xf32, #tpu.memory_space<vmem>>
      %dma_wait3A_77 = arith.constant 0 : i32
      %dma_wait3A_78 = tpu.memref_slice %arg13[%add3A_22, %dma_wait3A_77] : memref<10000x16xf32, #tpu.memory_space<vmem_shared>> -> memref<128x16xf32, #tpu.memory_space<vmem_shared>>
      %dma_wait3A_79 = arith.constant 0 : i32
      %dma_wait3A_80 = tpu.memref_slice %arg13[%add3A_22, %dma_wait3A_79] : memref<10000x16xf32, #tpu.memory_space<vmem_shared>> -> memref<128x16xf32, #tpu.memory_space<vmem_shared>>
      %dma_wait3A_81 = arith.constant 0 : i32
      %dma_wait3A_82 = arith.constant 0 : i32
      %dma_wait3A_83 = tpu.memref_slice %arg10[%dma_wait3A_81, %dma_wait3A_82] : memref<128x16xf32, #tpu.memory_space<vmem>> -> memref<128x16xf32, #tpu.memory_space<vmem>>
      tpu.wait_dma2 semaphore(%run_scoped3A : memref<!tpu.dma_semaphore, #tpu.memory_space<semaphore_mem>>) src(%dma_wait3A_83 : memref<128x16xf32, #tpu.memory_space<vmem>>) dst(%dma_wait3A_80 : memref<128x16xf32, #tpu.memory_space<vmem_shared>>)
      tpu.yield
    }) : () -> ()
    %add3A_23 = arith.constant 384 : i32
    %add3A_24 = arith.addi %mul3A_10, %add3A_23 : i32
    "tpu.region"() ({
      %run_scoped3A = tpu.sem_alloc : memref<!tpu.dma_semaphore, #tpu.memory_space<semaphore_mem>>
      %dma_start3A = arith.constant 0 : i32
      %dma_start3A_66 = arith.constant 0 : i32
      %dma_start3A_67 = tpu.memref_slice %arg6[%dma_start3A, %dma_start3A_66] : memref<128x128xf32, #tpu.memory_space<vmem>> -> memref<128x128xf32, #tpu.memory_space<vmem>>
      %dma_start3A_68 = arith.constant 0 : i32
      %dma_start3A_69 = tpu.memref_slice %arg12[%add3A_24, %dma_start3A_68] : memref<10000x128xf32, #tpu.memory_space<vmem_shared>> -> memref<128x128xf32, #tpu.memory_space<vmem_shared>>
      %dma_start3A_70 = arith.constant 0 : i32
      %dma_start3A_71 = tpu.memref_slice %arg12[%add3A_24, %dma_start3A_70] : memref<10000x128xf32, #tpu.memory_space<vmem_shared>> -> memref<128x128xf32, #tpu.memory_space<vmem_shared>>
      %dma_start3A_72 = arith.constant 0 : i32
      %dma_start3A_73 = arith.constant 0 : i32
      %dma_start3A_74 = tpu.memref_slice %arg6[%dma_start3A_72, %dma_start3A_73] : memref<128x128xf32, #tpu.memory_space<vmem>> -> memref<128x128xf32, #tpu.memory_space<vmem>>
      tpu.enqueue_dma source(%dma_start3A_74 : memref<128x128xf32, #tpu.memory_space<vmem>>) target(%dma_start3A_71 : memref<128x128xf32, #tpu.memory_space<vmem_shared>>) target_semaphore(%run_scoped3A : memref<!tpu.dma_semaphore, #tpu.memory_space<semaphore_mem>>)
      %dma_wait3A = arith.constant 0 : i32
      %dma_wait3A_75 = arith.constant 0 : i32
      %dma_wait3A_76 = tpu.memref_slice %arg6[%dma_wait3A, %dma_wait3A_75] : memref<128x128xf32, #tpu.memory_space<vmem>> -> memref<128x128xf32, #tpu.memory_space<vmem>>
      %dma_wait3A_77 = arith.constant 0 : i32
      %dma_wait3A_78 = tpu.memref_slice %arg12[%add3A_24, %dma_wait3A_77] : memref<10000x128xf32, #tpu.memory_space<vmem_shared>> -> memref<128x128xf32, #tpu.memory_space<vmem_shared>>
      %dma_wait3A_79 = arith.constant 0 : i32
      %dma_wait3A_80 = tpu.memref_slice %arg12[%add3A_24, %dma_wait3A_79] : memref<10000x128xf32, #tpu.memory_space<vmem_shared>> -> memref<128x128xf32, #tpu.memory_space<vmem_shared>>
      %dma_wait3A_81 = arith.constant 0 : i32
      %dma_wait3A_82 = arith.constant 0 : i32
      %dma_wait3A_83 = tpu.memref_slice %arg6[%dma_wait3A_81, %dma_wait3A_82] : memref<128x128xf32, #tpu.memory_space<vmem>> -> memref<128x128xf32, #tpu.memory_space<vmem>>
      tpu.wait_dma2 semaphore(%run_scoped3A : memref<!tpu.dma_semaphore, #tpu.memory_space<semaphore_mem>>) src(%dma_wait3A_83 : memref<128x128xf32, #tpu.memory_space<vmem>>) dst(%dma_wait3A_80 : memref<128x128xf32, #tpu.memory_space<vmem_shared>>)
      tpu.yield
    }) : () -> ()
    %add3A_25 = arith.constant 384 : i32
    %add3A_26 = arith.addi %mul3A_10, %add3A_25 : i32
    "tpu.region"() ({
      %run_scoped3A = tpu.sem_alloc : memref<!tpu.dma_semaphore, #tpu.memory_space<semaphore_mem>>
      %dma_start3A = arith.constant 0 : i32
      %dma_start3A_66 = arith.constant 0 : i32
      %dma_start3A_67 = tpu.memref_slice %arg10[%dma_start3A, %dma_start3A_66] : memref<128x16xf32, #tpu.memory_space<vmem>> -> memref<128x16xf32, #tpu.memory_space<vmem>>
      %dma_start3A_68 = arith.constant 0 : i32
      %dma_start3A_69 = tpu.memref_slice %arg13[%add3A_26, %dma_start3A_68] : memref<10000x16xf32, #tpu.memory_space<vmem_shared>> -> memref<128x16xf32, #tpu.memory_space<vmem_shared>>
      %dma_start3A_70 = arith.constant 0 : i32
      %dma_start3A_71 = tpu.memref_slice %arg13[%add3A_26, %dma_start3A_70] : memref<10000x16xf32, #tpu.memory_space<vmem_shared>> -> memref<128x16xf32, #tpu.memory_space<vmem_shared>>
      %dma_start3A_72 = arith.constant 0 : i32
      %dma_start3A_73 = arith.constant 0 : i32
      %dma_start3A_74 = tpu.memref_slice %arg10[%dma_start3A_72, %dma_start3A_73] : memref<128x16xf32, #tpu.memory_space<vmem>> -> memref<128x16xf32, #tpu.memory_space<vmem>>
      tpu.enqueue_dma source(%dma_start3A_74 : memref<128x16xf32, #tpu.memory_space<vmem>>) target(%dma_start3A_71 : memref<128x16xf32, #tpu.memory_space<vmem_shared>>) target_semaphore(%run_scoped3A : memref<!tpu.dma_semaphore, #tpu.memory_space<semaphore_mem>>)
      %dma_wait3A = arith.constant 0 : i32
      %dma_wait3A_75 = arith.constant 0 : i32
      %dma_wait3A_76 = tpu.memref_slice %arg10[%dma_wait3A, %dma_wait3A_75] : memref<128x16xf32, #tpu.memory_space<vmem>> -> memref<128x16xf32, #tpu.memory_space<vmem>>
      %dma_wait3A_77 = arith.constant 0 : i32
      %dma_wait3A_78 = tpu.memref_slice %arg13[%add3A_26, %dma_wait3A_77] : memref<10000x16xf32, #tpu.memory_space<vmem_shared>> -> memref<128x16xf32, #tpu.memory_space<vmem_shared>>
      %dma_wait3A_79 = arith.constant 0 : i32
      %dma_wait3A_80 = tpu.memref_slice %arg13[%add3A_26, %dma_wait3A_79] : memref<10000x16xf32, #tpu.memory_space<vmem_shared>> -> memref<128x16xf32, #tpu.memory_space<vmem_shared>>
      %dma_wait3A_81 = arith.constant 0 : i32
      %dma_wait3A_82 = arith.constant 0 : i32
      %dma_wait3A_83 = tpu.memref_slice %arg10[%dma_wait3A_81, %dma_wait3A_82] : memref<128x16xf32, #tpu.memory_space<vmem>> -> memref<128x16xf32, #tpu.memory_space<vmem>>
      tpu.wait_dma2 semaphore(%run_scoped3A : memref<!tpu.dma_semaphore, #tpu.memory_space<semaphore_mem>>) src(%dma_wait3A_83 : memref<128x16xf32, #tpu.memory_space<vmem>>) dst(%dma_wait3A_80 : memref<128x16xf32, #tpu.memory_space<vmem_shared>>)
      tpu.yield
    }) : () -> ()
    %add3A_27 = arith.constant 512 : i32
    %add3A_28 = arith.addi %mul3A_10, %add3A_27 : i32
    "tpu.region"() ({
      %run_scoped3A = tpu.sem_alloc : memref<!tpu.dma_semaphore, #tpu.memory_space<semaphore_mem>>
      %dma_start3A = arith.constant 0 : i32
      %dma_start3A_66 = arith.constant 0 : i32
      %dma_start3A_67 = tpu.memref_slice %arg6[%dma_start3A, %dma_start3A_66] : memref<128x128xf32, #tpu.memory_space<vmem>> -> memref<112x128xf32, #tpu.memory_space<vmem>>
      %dma_start3A_68 = arith.constant 0 : i32
      %dma_start3A_69 = tpu.memref_slice %arg12[%add3A_28, %dma_start3A_68] : memref<10000x128xf32, #tpu.memory_space<vmem_shared>> -> memref<112x128xf32, #tpu.memory_space<vmem_shared>>
      %dma_start3A_70 = arith.constant 0 : i32
      %dma_start3A_71 = tpu.memref_slice %arg12[%add3A_28, %dma_start3A_70] : memref<10000x128xf32, #tpu.memory_space<vmem_shared>> -> memref<112x128xf32, #tpu.memory_space<vmem_shared>>
      %dma_start3A_72 = arith.constant 0 : i32
      %dma_start3A_73 = arith.constant 0 : i32
      %dma_start3A_74 = tpu.memref_slice %arg6[%dma_start3A_72, %dma_start3A_73] : memref<128x128xf32, #tpu.memory_space<vmem>> -> memref<112x128xf32, #tpu.memory_space<vmem>>
      tpu.enqueue_dma source(%dma_start3A_74 : memref<112x128xf32, #tpu.memory_space<vmem>>) target(%dma_start3A_71 : memref<112x128xf32, #tpu.memory_space<vmem_shared>>) target_semaphore(%run_scoped3A : memref<!tpu.dma_semaphore, #tpu.memory_space<semaphore_mem>>)
      %dma_wait3A = arith.constant 0 : i32
      %dma_wait3A_75 = arith.constant 0 : i32
      %dma_wait3A_76 = tpu.memref_slice %arg6[%dma_wait3A, %dma_wait3A_75] : memref<128x128xf32, #tpu.memory_space<vmem>> -> memref<112x128xf32, #tpu.memory_space<vmem>>
      %dma_wait3A_77 = arith.constant 0 : i32
      %dma_wait3A_78 = tpu.memref_slice %arg12[%add3A_28, %dma_wait3A_77] : memref<10000x128xf32, #tpu.memory_space<vmem_shared>> -> memref<112x128xf32, #tpu.memory_space<vmem_shared>>
      %dma_wait3A_79 = arith.constant 0 : i32
      %dma_wait3A_80 = tpu.memref_slice %arg12[%add3A_28, %dma_wait3A_79] : memref<10000x128xf32, #tpu.memory_space<vmem_shared>> -> memref<112x128xf32, #tpu.memory_space<vmem_shared>>
      %dma_wait3A_81 = arith.constant 0 : i32
      %dma_wait3A_82 = arith.constant 0 : i32
      %dma_wait3A_83 = tpu.memref_slice %arg6[%dma_wait3A_81, %dma_wait3A_82] : memref<128x128xf32, #tpu.memory_space<vmem>> -> memref<112x128xf32, #tpu.memory_space<vmem>>
      tpu.wait_dma2 semaphore(%run_scoped3A : memref<!tpu.dma_semaphore, #tpu.memory_space<semaphore_mem>>) src(%dma_wait3A_83 : memref<112x128xf32, #tpu.memory_space<vmem>>) dst(%dma_wait3A_80 : memref<112x128xf32, #tpu.memory_space<vmem_shared>>)
      tpu.yield
    }) : () -> ()
    %add3A_29 = arith.constant 512 : i32
    %add3A_30 = arith.addi %mul3A_10, %add3A_29 : i32
    "tpu.region"() ({
      %run_scoped3A = tpu.sem_alloc : memref<!tpu.dma_semaphore, #tpu.memory_space<semaphore_mem>>
      %dma_start3A = arith.constant 0 : i32
      %dma_start3A_66 = arith.constant 0 : i32
      %dma_start3A_67 = tpu.memref_slice %arg10[%dma_start3A, %dma_start3A_66] : memref<128x16xf32, #tpu.memory_space<vmem>> -> memref<112x16xf32, #tpu.memory_space<vmem>>
      %dma_start3A_68 = arith.constant 0 : i32
      %dma_start3A_69 = tpu.memref_slice %arg13[%add3A_30, %dma_start3A_68] : memref<10000x16xf32, #tpu.memory_space<vmem_shared>> -> memref<112x16xf32, #tpu.memory_space<vmem_shared>>
      %dma_start3A_70 = arith.constant 0 : i32
      %dma_start3A_71 = tpu.memref_slice %arg13[%add3A_30, %dma_start3A_70] : memref<10000x16xf32, #tpu.memory_space<vmem_shared>> -> memref<112x16xf32, #tpu.memory_space<vmem_shared>>
      %dma_start3A_72 = arith.constant 0 : i32
      %dma_start3A_73 = arith.constant 0 : i32
      %dma_start3A_74 = tpu.memref_slice %arg10[%dma_start3A_72, %dma_start3A_73] : memref<128x16xf32, #tpu.memory_space<vmem>> -> memref<112x16xf32, #tpu.memory_space<vmem>>
      tpu.enqueue_dma source(%dma_start3A_74 : memref<112x16xf32, #tpu.memory_space<vmem>>) target(%dma_start3A_71 : memref<112x16xf32, #tpu.memory_space<vmem_shared>>) target_semaphore(%run_scoped3A : memref<!tpu.dma_semaphore, #tpu.memory_space<semaphore_mem>>)
      %dma_wait3A = arith.constant 0 : i32
      %dma_wait3A_75 = arith.constant 0 : i32
      %dma_wait3A_76 = tpu.memref_slice %arg10[%dma_wait3A, %dma_wait3A_75] : memref<128x16xf32, #tpu.memory_space<vmem>> -> memref<112x16xf32, #tpu.memory_space<vmem>>
      %dma_wait3A_77 = arith.constant 0 : i32
      %dma_wait3A_78 = tpu.memref_slice %arg13[%add3A_30, %dma_wait3A_77] : memref<10000x16xf32, #tpu.memory_space<vmem_shared>> -> memref<112x16xf32, #tpu.memory_space<vmem_shared>>
      %dma_wait3A_79 = arith.constant 0 : i32
      %dma_wait3A_80 = tpu.memref_slice %arg13[%add3A_30, %dma_wait3A_79] : memref<10000x16xf32, #tpu.memory_space<vmem_shared>> -> memref<112x16xf32, #tpu.memory_space<vmem_shared>>
      %dma_wait3A_81 = arith.constant 0 : i32
      %dma_wait3A_82 = arith.constant 0 : i32
      %dma_wait3A_83 = tpu.memref_slice %arg10[%dma_wait3A_81, %dma_wait3A_82] : memref<128x16xf32, #tpu.memory_space<vmem>> -> memref<112x16xf32, #tpu.memory_space<vmem>>
      tpu.wait_dma2 semaphore(%run_scoped3A : memref<!tpu.dma_semaphore, #tpu.memory_space<semaphore_mem>>) src(%dma_wait3A_83 : memref<112x16xf32, #tpu.memory_space<vmem>>) dst(%dma_wait3A_80 : memref<112x16xf32, #tpu.memory_space<vmem_shared>>)
      tpu.yield
    }) : () -> ()
    %eq3A = arith.constant 15 : i32
    %eq3A_31 = arith.cmpi eq, %arg1, %eq3A : i32
    %convert_element_type3A = arith.extui %eq3A_31 : i1 to i32
    %cond3A = arith.constant 0 : i32
    %cond3A_32 = arith.cmpi ne, %convert_element_type3A, %cond3A : i32
    scf.if %cond3A_32 {
      "tpu.region"() ({
        %run_scoped3A = tpu.sem_alloc : memref<!tpu.dma_semaphore, #tpu.memory_space<semaphore_mem>>
        %dma_start3A = arith.constant 0 : i32
        %dma_start3A_66 = arith.constant 0 : i32
        %dma_start3A_67 = tpu.memref_slice %arg6[%dma_start3A, %dma_start3A_66] : memref<128x128xf32, #tpu.memory_space<vmem>> -> memref<16x128xf32, #tpu.memory_space<vmem>>
        %dma_start3A_68 = arith.constant 9984 : i32
        %dma_start3A_69 = arith.constant 0 : i32
        %dma_start3A_70 = tpu.memref_slice %arg12[%dma_start3A_68, %dma_start3A_69] : memref<10000x128xf32, #tpu.memory_space<vmem_shared>> -> memref<16x128xf32, #tpu.memory_space<vmem_shared>>
        %dma_start3A_71 = arith.constant 9984 : i32
        %dma_start3A_72 = arith.constant 0 : i32
        %dma_start3A_73 = tpu.memref_slice %arg12[%dma_start3A_71, %dma_start3A_72] : memref<10000x128xf32, #tpu.memory_space<vmem_shared>> -> memref<16x128xf32, #tpu.memory_space<vmem_shared>>
        %dma_start3A_74 = arith.constant 0 : i32
        %dma_start3A_75 = arith.constant 0 : i32
        %dma_start3A_76 = tpu.memref_slice %arg6[%dma_start3A_74, %dma_start3A_75] : memref<128x128xf32, #tpu.memory_space<vmem>> -> memref<16x128xf32, #tpu.memory_space<vmem>>
        tpu.enqueue_dma source(%dma_start3A_76 : memref<16x128xf32, #tpu.memory_space<vmem>>) target(%dma_start3A_73 : memref<16x128xf32, #tpu.memory_space<vmem_shared>>) target_semaphore(%run_scoped3A : memref<!tpu.dma_semaphore, #tpu.memory_space<semaphore_mem>>)
        %dma_wait3A = arith.constant 0 : i32
        %dma_wait3A_77 = arith.constant 0 : i32
        %dma_wait3A_78 = tpu.memref_slice %arg6[%dma_wait3A, %dma_wait3A_77] : memref<128x128xf32, #tpu.memory_space<vmem>> -> memref<16x128xf32, #tpu.memory_space<vmem>>
        %dma_wait3A_79 = arith.constant 9984 : i32
        %dma_wait3A_80 = arith.constant 0 : i32
        %dma_wait3A_81 = tpu.memref_slice %arg12[%dma_wait3A_79, %dma_wait3A_80] : memref<10000x128xf32, #tpu.memory_space<vmem_shared>> -> memref<16x128xf32, #tpu.memory_space<vmem_shared>>
        %dma_wait3A_82 = arith.constant 9984 : i32
        %dma_wait3A_83 = arith.constant 0 : i32
        %dma_wait3A_84 = tpu.memref_slice %arg12[%dma_wait3A_82, %dma_wait3A_83] : memref<10000x128xf32, #tpu.memory_space<vmem_shared>> -> memref<16x128xf32, #tpu.memory_space<vmem_shared>>
        %dma_wait3A_85 = arith.constant 0 : i32
        %dma_wait3A_86 = arith.constant 0 : i32
        %dma_wait3A_87 = tpu.memref_slice %arg6[%dma_wait3A_85, %dma_wait3A_86] : memref<128x128xf32, #tpu.memory_space<vmem>> -> memref<16x128xf32, #tpu.memory_space<vmem>>
        tpu.wait_dma2 semaphore(%run_scoped3A : memref<!tpu.dma_semaphore, #tpu.memory_space<semaphore_mem>>) src(%dma_wait3A_87 : memref<16x128xf32, #tpu.memory_space<vmem>>) dst(%dma_wait3A_84 : memref<16x128xf32, #tpu.memory_space<vmem_shared>>)
        tpu.yield
      }) : () -> ()
      "tpu.region"() ({
        %run_scoped3A = tpu.sem_alloc : memref<!tpu.dma_semaphore, #tpu.memory_space<semaphore_mem>>
        %dma_start3A = arith.constant 0 : i32
        %dma_start3A_66 = arith.constant 0 : i32
        %dma_start3A_67 = tpu.memref_slice %arg10[%dma_start3A, %dma_start3A_66] : memref<128x16xf32, #tpu.memory_space<vmem>> -> memref<16x16xf32, #tpu.memory_space<vmem>>
        %dma_start3A_68 = arith.constant 9984 : i32
        %dma_start3A_69 = arith.constant 0 : i32
        %dma_start3A_70 = tpu.memref_slice %arg13[%dma_start3A_68, %dma_start3A_69] : memref<10000x16xf32, #tpu.memory_space<vmem_shared>> -> memref<16x16xf32, #tpu.memory_space<vmem_shared>>
        %dma_start3A_71 = arith.constant 9984 : i32
        %dma_start3A_72 = arith.constant 0 : i32
        %dma_start3A_73 = tpu.memref_slice %arg13[%dma_start3A_71, %dma_start3A_72] : memref<10000x16xf32, #tpu.memory_space<vmem_shared>> -> memref<16x16xf32, #tpu.memory_space<vmem_shared>>
        %dma_start3A_74 = arith.constant 0 : i32
        %dma_start3A_75 = arith.constant 0 : i32
        %dma_start3A_76 = tpu.memref_slice %arg10[%dma_start3A_74, %dma_start3A_75] : memref<128x16xf32, #tpu.memory_space<vmem>> -> memref<16x16xf32, #tpu.memory_space<vmem>>
        tpu.enqueue_dma source(%dma_start3A_76 : memref<16x16xf32, #tpu.memory_space<vmem>>) target(%dma_start3A_73 : memref<16x16xf32, #tpu.memory_space<vmem_shared>>) target_semaphore(%run_scoped3A : memref<!tpu.dma_semaphore, #tpu.memory_space<semaphore_mem>>)
        %dma_wait3A = arith.constant 0 : i32
        %dma_wait3A_77 = arith.constant 0 : i32
        %dma_wait3A_78 = tpu.memref_slice %arg10[%dma_wait3A, %dma_wait3A_77] : memref<128x16xf32, #tpu.memory_space<vmem>> -> memref<16x16xf32, #tpu.memory_space<vmem>>
        %dma_wait3A_79 = arith.constant 9984 : i32
        %dma_wait3A_80 = arith.constant 0 : i32
        %dma_wait3A_81 = tpu.memref_slice %arg13[%dma_wait3A_79, %dma_wait3A_80] : memref<10000x16xf32, #tpu.memory_space<vmem_shared>> -> memref<16x16xf32, #tpu.memory_space<vmem_shared>>
        %dma_wait3A_82 = arith.constant 9984 : i32
        %dma_wait3A_83 = arith.constant 0 : i32
        %dma_wait3A_84 = tpu.memref_slice %arg13[%dma_wait3A_82, %dma_wait3A_83] : memref<10000x16xf32, #tpu.memory_space<vmem_shared>> -> memref<16x16xf32, #tpu.memory_space<vmem_shared>>
        %dma_wait3A_85 = arith.constant 0 : i32
        %dma_wait3A_86 = arith.constant 0 : i32
        %dma_wait3A_87 = tpu.memref_slice %arg10[%dma_wait3A_85, %dma_wait3A_86] : memref<128x16xf32, #tpu.memory_space<vmem>> -> memref<16x16xf32, #tpu.memory_space<vmem>>
        tpu.wait_dma2 semaphore(%run_scoped3A : memref<!tpu.dma_semaphore, #tpu.memory_space<semaphore_mem>>) src(%dma_wait3A_87 : memref<16x16xf32, #tpu.memory_space<vmem>>) dst(%dma_wait3A_84 : memref<16x16xf32, #tpu.memory_space<vmem_shared>>)
        tpu.yield
      }) : () -> ()
    } else {
    }
    %barrier3A = arith.constant 0 : index
    tpu.barrier barrier_id(%barrier3A)
    %scan3A_33 = arith.constant 0 : i32
    %scan3A_34 = arith.constant 78 : i32
    %scan3A_35 = arith.addi %scan3A_33, %scan3A_34 : i32
    %scan3A_36 = arith.constant 1 : i32
    scf.for %scan3A_66 = %scan3A_33 to %scan3A_35 step %scan3A_36  : i32 {
      %mul3A_67 = arith.constant 1 : i32
      %mul3A_68 = arith.muli %scan3A_66, %mul3A_67 : i32
      %add3A_69 = arith.constant 0 : i32
      %add3A_70 = arith.addi %add3A_69, %mul3A_68 : i32
      %mul3A_71 = arith.constant 128 : i32
      %mul3A_72 = arith.muli %add3A_70, %mul3A_71 : i32
      %add3A_73 = arith.addi %mul3A_2, %mul3A_72 : i32
      "tpu.region"() ({
        %run_scoped3A = tpu.sem_alloc : memref<!tpu.dma_semaphore, #tpu.memory_space<semaphore_mem>>
        %dma_start3A = tpu.memref_slice %arg3[%add3A_73] : memref<320000xi32, #tpu.memory_space<hbm>> -> memref<128xi32, #tpu.memory_space<hbm>>
        %dma_start3A_74 = tpu.memref_slice %arg3[%add3A_73] : memref<320000xi32, #tpu.memory_space<hbm>> -> memref<128xi32, #tpu.memory_space<hbm>>
        tpu.enqueue_dma source(%dma_start3A_74 : memref<128xi32, #tpu.memory_space<hbm>>) target(%arg7 : memref<128xi32, #tpu.memory_space<vmem>>) target_semaphore(%run_scoped3A : memref<!tpu.dma_semaphore, #tpu.memory_space<semaphore_mem>>)
        %dma_wait3A = tpu.memref_slice %arg3[%add3A_73] : memref<320000xi32, #tpu.memory_space<hbm>> -> memref<128xi32, #tpu.memory_space<hbm>>
        %dma_wait3A_75 = tpu.memref_slice %arg3[%add3A_73] : memref<320000xi32, #tpu.memory_space<hbm>> -> memref<128xi32, #tpu.memory_space<hbm>>
        tpu.wait_dma2 semaphore(%run_scoped3A : memref<!tpu.dma_semaphore, #tpu.memory_space<semaphore_mem>>) src(%dma_wait3A_75 : memref<128xi32, #tpu.memory_space<hbm>>) dst(%arg7 : memref<128xi32, #tpu.memory_space<vmem>>)
        tpu.yield
      }) : () -> ()
      "tpu.region"() ({
        %run_scoped3A = tpu.sem_alloc : memref<!tpu.dma_semaphore, #tpu.memory_space<semaphore_mem>>
        %dma_start3A = arith.constant 0 : i32
        %dma_start3A_74 = tpu.memref_slice %arg2[%add3A_73, %dma_start3A] : memref<320000x128xf32, #tpu.memory_space<hbm>> -> memref<128x128xf32, #tpu.memory_space<hbm>>
        %dma_start3A_75 = arith.constant 0 : i32
        %dma_start3A_76 = tpu.memref_slice %arg2[%add3A_73, %dma_start3A_75] : memref<320000x128xf32, #tpu.memory_space<hbm>> -> memref<128x128xf32, #tpu.memory_space<hbm>>
        tpu.enqueue_dma source(%dma_start3A_76 : memref<128x128xf32, #tpu.memory_space<hbm>>) target(%arg6 : memref<128x128xf32, #tpu.memory_space<vmem>>) target_semaphore(%run_scoped3A : memref<!tpu.dma_semaphore, #tpu.memory_space<semaphore_mem>>)
        %dma_wait3A = arith.constant 0 : i32
        %dma_wait3A_77 = tpu.memref_slice %arg2[%add3A_73, %dma_wait3A] : memref<320000x128xf32, #tpu.memory_space<hbm>> -> memref<128x128xf32, #tpu.memory_space<hbm>>
        %dma_wait3A_78 = arith.constant 0 : i32
        %dma_wait3A_79 = tpu.memref_slice %arg2[%add3A_73, %dma_wait3A_78] : memref<320000x128xf32, #tpu.memory_space<hbm>> -> memref<128x128xf32, #tpu.memory_space<hbm>>
        tpu.wait_dma2 semaphore(%run_scoped3A : memref<!tpu.dma_semaphore, #tpu.memory_space<semaphore_mem>>) src(%dma_wait3A_79 : memref<128x128xf32, #tpu.memory_space<hbm>>) dst(%arg6 : memref<128x128xf32, #tpu.memory_space<vmem>>)
        tpu.yield
      }) : () -> ()
      "tpu.region"() ({
        %run_scoped3A = tpu.sem_alloc : memref<!tpu.dma_semaphore, #tpu.memory_space<semaphore_mem>>
        %dma_start3A = arith.constant 0 : i32
        %dma_start3A_74 = arith.constant 0 : i32
        %dma_start3A_75 = tpu.memref_slice %arg12[%dma_start3A, %dma_start3A_74] : memref<10000x128xf32, #tpu.memory_space<vmem_shared>> -> memref<10000x128xf32, #tpu.memory_space<vmem_shared>>
        tpu.enqueue_indirect_dma source(%arg6 : memref<128x128xf32, #tpu.memory_space<vmem>>) target(%dma_start3A_75 : memref<10000x128xf32, #tpu.memory_space<vmem_shared>>) offsets(%arg7 : memref<128xi32, #tpu.memory_space<vmem>>) semaphore(%run_scoped3A : memref<!tpu.dma_semaphore, #tpu.memory_space<semaphore_mem>>) {add = true}
        %dma_wait3A = arith.constant 0 : i32
        %dma_wait3A_76 = arith.constant 0 : i32
        %dma_wait3A_77 = tpu.memref_slice %arg12[%dma_wait3A, %dma_wait3A_76] : memref<10000x128xf32, #tpu.memory_space<vmem_shared>> -> memref<10000x128xf32, #tpu.memory_space<vmem_shared>>
        tpu.wait_indirect_dma semaphore(%run_scoped3A : memref<!tpu.dma_semaphore, #tpu.memory_space<semaphore_mem>>) src(%arg6 : memref<128x128xf32, #tpu.memory_space<vmem>>) dst(%dma_wait3A_77 : memref<10000x128xf32, #tpu.memory_space<vmem_shared>>)
        tpu.yield
      }) : () -> ()
      "tpu.region"() ({
        %run_scoped3A = tpu.sem_alloc : memref<!tpu.dma_semaphore, #tpu.memory_space<semaphore_mem>>
        %dma_start3A = arith.constant 0 : i32
        %dma_start3A_74 = arith.constant 0 : i32
        %dma_start3A_75 = tpu.memref_slice %arg13[%dma_start3A, %dma_start3A_74] : memref<10000x16xf32, #tpu.memory_space<vmem_shared>> -> memref<10000x16xf32, #tpu.memory_space<vmem_shared>>
        tpu.enqueue_indirect_dma source(%arg9 : memref<128x16xf32, #tpu.memory_space<vmem>>) target(%dma_start3A_75 : memref<10000x16xf32, #tpu.memory_space<vmem_shared>>) offsets(%arg7 : memref<128xi32, #tpu.memory_space<vmem>>) semaphore(%run_scoped3A : memref<!tpu.dma_semaphore, #tpu.memory_space<semaphore_mem>>) {add = true}
        %dma_wait3A = arith.constant 0 : i32
        %dma_wait3A_76 = arith.constant 0 : i32
        %dma_wait3A_77 = tpu.memref_slice %arg13[%dma_wait3A, %dma_wait3A_76] : memref<10000x16xf32, #tpu.memory_space<vmem_shared>> -> memref<10000x16xf32, #tpu.memory_space<vmem_shared>>
        tpu.wait_indirect_dma semaphore(%run_scoped3A : memref<!tpu.dma_semaphore, #tpu.memory_space<semaphore_mem>>) src(%arg9 : memref<128x16xf32, #tpu.memory_space<vmem>>) dst(%dma_wait3A_77 : memref<10000x16xf32, #tpu.memory_space<vmem_shared>>)
        tpu.yield
      }) : () -> ()
    }
    %scan3A_37 = arith.constant 78 : i32
    %add3A_38 = arith.constant 9984 : i32
    %add3A_39 = arith.addi %mul3A_2, %add3A_38 : i32
    "tpu.region"() ({
      %run_scoped3A = tpu.sem_alloc : memref<!tpu.dma_semaphore, #tpu.memory_space<semaphore_mem>>
      %dma_start3A = tpu.memref_slice %arg3[%add3A_39] : memref<320000xi32, #tpu.memory_space<hbm>> -> memref<16xi32, #tpu.memory_space<hbm>>
      %dma_start3A_66 = tpu.memref_slice %arg3[%add3A_39] : memref<320000xi32, #tpu.memory_space<hbm>> -> memref<16xi32, #tpu.memory_space<hbm>>
      tpu.enqueue_dma source(%dma_start3A_66 : memref<16xi32, #tpu.memory_space<hbm>>) target(%arg8 : memref<16xi32, #tpu.memory_space<vmem>>) target_semaphore(%run_scoped3A : memref<!tpu.dma_semaphore, #tpu.memory_space<semaphore_mem>>)
      %dma_wait3A = tpu.memref_slice %arg3[%add3A_39] : memref<320000xi32, #tpu.memory_space<hbm>> -> memref<16xi32, #tpu.memory_space<hbm>>
      %dma_wait3A_67 = tpu.memref_slice %arg3[%add3A_39] : memref<320000xi32, #tpu.memory_space<hbm>> -> memref<16xi32, #tpu.memory_space<hbm>>
      tpu.wait_dma2 semaphore(%run_scoped3A : memref<!tpu.dma_semaphore, #tpu.memory_space<semaphore_mem>>) src(%dma_wait3A_67 : memref<16xi32, #tpu.memory_space<hbm>>) dst(%arg8 : memref<16xi32, #tpu.memory_space<vmem>>)
      tpu.yield
    }) : () -> ()
    "tpu.region"() ({
      %run_scoped3A = tpu.sem_alloc : memref<!tpu.dma_semaphore, #tpu.memory_space<semaphore_mem>>
      %dma_start3A = arith.constant 0 : i32
      %dma_start3A_66 = arith.constant 0 : i32
      %dma_start3A_67 = tpu.memref_slice %arg6[%dma_start3A, %dma_start3A_66] : memref<128x128xf32, #tpu.memory_space<vmem>> -> memref<16x128xf32, #tpu.memory_space<vmem>>
      %dma_start3A_68 = arith.constant 0 : i32
      %dma_start3A_69 = tpu.memref_slice %arg2[%add3A_39, %dma_start3A_68] : memref<320000x128xf32, #tpu.memory_space<hbm>> -> memref<16x128xf32, #tpu.memory_space<hbm>>
      %dma_start3A_70 = arith.constant 0 : i32
      %dma_start3A_71 = arith.constant 0 : i32
      %dma_start3A_72 = tpu.memref_slice %arg6[%dma_start3A_70, %dma_start3A_71] : memref<128x128xf32, #tpu.memory_space<vmem>> -> memref<16x128xf32, #tpu.memory_space<vmem>>
      %dma_start3A_73 = arith.constant 0 : i32
      %dma_start3A_74 = tpu.memref_slice %arg2[%add3A_39, %dma_start3A_73] : memref<320000x128xf32, #tpu.memory_space<hbm>> -> memref<16x128xf32, #tpu.memory_space<hbm>>
      tpu.enqueue_dma source(%dma_start3A_74 : memref<16x128xf32, #tpu.memory_space<hbm>>) target(%dma_start3A_72 : memref<16x128xf32, #tpu.memory_space<vmem>>) target_semaphore(%run_scoped3A : memref<!tpu.dma_semaphore, #tpu.memory_space<semaphore_mem>>)
      %dma_wait3A = arith.constant 0 : i32
      %dma_wait3A_75 = arith.constant 0 : i32
      %dma_wait3A_76 = tpu.memref_slice %arg6[%dma_wait3A, %dma_wait3A_75] : memref<128x128xf32, #tpu.memory_space<vmem>> -> memref<16x128xf32, #tpu.memory_space<vmem>>
      %dma_wait3A_77 = arith.constant 0 : i32
      %dma_wait3A_78 = tpu.memref_slice %arg2[%add3A_39, %dma_wait3A_77] : memref<320000x128xf32, #tpu.memory_space<hbm>> -> memref<16x128xf32, #tpu.memory_space<hbm>>
      %dma_wait3A_79 = arith.constant 0 : i32
      %dma_wait3A_80 = arith.constant 0 : i32
      %dma_wait3A_81 = tpu.memref_slice %arg6[%dma_wait3A_79, %dma_wait3A_80] : memref<128x128xf32, #tpu.memory_space<vmem>> -> memref<16x128xf32, #tpu.memory_space<vmem>>
      %dma_wait3A_82 = arith.constant 0 : i32
      %dma_wait3A_83 = tpu.memref_slice %arg2[%add3A_39, %dma_wait3A_82] : memref<320000x128xf32, #tpu.memory_space<hbm>> -> memref<16x128xf32, #tpu.memory_space<hbm>>
      tpu.wait_dma2 semaphore(%run_scoped3A : memref<!tpu.dma_semaphore, #tpu.memory_space<semaphore_mem>>) src(%dma_wait3A_83 : memref<16x128xf32, #tpu.memory_space<hbm>>) dst(%dma_wait3A_81 : memref<16x128xf32, #tpu.memory_space<vmem>>)
      tpu.yield
    }) : () -> ()
    "tpu.region"() ({
      %run_scoped3A = tpu.sem_alloc : memref<!tpu.dma_semaphore, #tpu.memory_space<semaphore_mem>>
      %dma_start3A = arith.constant 0 : i32
      %dma_start3A_66 = arith.constant 0 : i32
      %dma_start3A_67 = tpu.memref_slice %arg6[%dma_start3A, %dma_start3A_66] : memref<128x128xf32, #tpu.memory_space<vmem>> -> memref<16x128xf32, #tpu.memory_space<vmem>>
      %dma_start3A_68 = arith.constant 0 : i32
      %dma_start3A_69 = arith.constant 0 : i32
      %dma_start3A_70 = tpu.memref_slice %arg12[%dma_start3A_68, %dma_start3A_69] : memref<10000x128xf32, #tpu.memory_space<vmem_shared>> -> memref<10000x128xf32, #tpu.memory_space<vmem_shared>>
      tpu.enqueue_indirect_dma source(%dma_start3A_67 : memref<16x128xf32, #tpu.memory_space<vmem>>) target(%dma_start3A_70 : memref<10000x128xf32, #tpu.memory_space<vmem_shared>>) offsets(%arg8 : memref<16xi32, #tpu.memory_space<vmem>>) semaphore(%run_scoped3A : memref<!tpu.dma_semaphore, #tpu.memory_space<semaphore_mem>>) {add = true}
      %dma_wait3A = arith.constant 0 : i32
      %dma_wait3A_71 = arith.constant 0 : i32
      %dma_wait3A_72 = tpu.memref_slice %arg6[%dma_wait3A, %dma_wait3A_71] : memref<128x128xf32, #tpu.memory_space<vmem>> -> memref<16x128xf32, #tpu.memory_space<vmem>>
      %dma_wait3A_73 = arith.constant 0 : i32
      %dma_wait3A_74 = arith.constant 0 : i32
      %dma_wait3A_75 = tpu.memref_slice %arg12[%dma_wait3A_73, %dma_wait3A_74] : memref<10000x128xf32, #tpu.memory_space<vmem_shared>> -> memref<10000x128xf32, #tpu.memory_space<vmem_shared>>
      tpu.wait_indirect_dma semaphore(%run_scoped3A : memref<!tpu.dma_semaphore, #tpu.memory_space<semaphore_mem>>) src(%dma_wait3A_72 : memref<16x128xf32, #tpu.memory_space<vmem>>) dst(%dma_wait3A_75 : memref<10000x128xf32, #tpu.memory_space<vmem_shared>>)
      tpu.yield
    }) : () -> ()
    "tpu.region"() ({
      %run_scoped3A = tpu.sem_alloc : memref<!tpu.dma_semaphore, #tpu.memory_space<semaphore_mem>>
      %dma_start3A = arith.constant 0 : i32
      %dma_start3A_66 = arith.constant 0 : i32
      %dma_start3A_67 = tpu.memref_slice %arg9[%dma_start3A, %dma_start3A_66] : memref<128x16xf32, #tpu.memory_space<vmem>> -> memref<16x16xf32, #tpu.memory_space<vmem>>
      %dma_start3A_68 = arith.constant 0 : i32
      %dma_start3A_69 = arith.constant 0 : i32
      %dma_start3A_70 = tpu.memref_slice %arg13[%dma_start3A_68, %dma_start3A_69] : memref<10000x16xf32, #tpu.memory_space<vmem_shared>> -> memref<10000x16xf32, #tpu.memory_space<vmem_shared>>
      tpu.enqueue_indirect_dma source(%dma_start3A_67 : memref<16x16xf32, #tpu.memory_space<vmem>>) target(%dma_start3A_70 : memref<10000x16xf32, #tpu.memory_space<vmem_shared>>) offsets(%arg8 : memref<16xi32, #tpu.memory_space<vmem>>) semaphore(%run_scoped3A : memref<!tpu.dma_semaphore, #tpu.memory_space<semaphore_mem>>) {add = true}
      %dma_wait3A = arith.constant 0 : i32
      %dma_wait3A_71 = arith.constant 0 : i32
      %dma_wait3A_72 = tpu.memref_slice %arg9[%dma_wait3A, %dma_wait3A_71] : memref<128x16xf32, #tpu.memory_space<vmem>> -> memref<16x16xf32, #tpu.memory_space<vmem>>
      %dma_wait3A_73 = arith.constant 0 : i32
      %dma_wait3A_74 = arith.constant 0 : i32
      %dma_wait3A_75 = tpu.memref_slice %arg13[%dma_wait3A_73, %dma_wait3A_74] : memref<10000x16xf32, #tpu.memory_space<vmem_shared>> -> memref<10000x16xf32, #tpu.memory_space<vmem_shared>>
      tpu.wait_indirect_dma semaphore(%run_scoped3A : memref<!tpu.dma_semaphore, #tpu.memory_space<semaphore_mem>>) src(%dma_wait3A_72 : memref<16x16xf32, #tpu.memory_space<vmem>>) dst(%dma_wait3A_75 : memref<10000x16xf32, #tpu.memory_space<vmem_shared>>)
      tpu.yield
    }) : () -> ()
    %barrier3A_40 = arith.constant 0 : index
    tpu.barrier barrier_id(%barrier3A_40)
    %add3A_41 = arith.constant 0 : i32
    %add3A_42 = arith.addi %mul3A_10, %add3A_41 : i32
    "tpu.region"() ({
      %run_scoped3A = tpu.sem_alloc : memref<!tpu.dma_semaphore, #tpu.memory_space<semaphore_mem>>
      %dma_start3A = arith.constant 0 : i32
      %dma_start3A_66 = arith.constant 0 : i32
      %dma_start3A_67 = tpu.memref_slice %arg6[%dma_start3A, %dma_start3A_66] : memref<128x128xf32, #tpu.memory_space<vmem>> -> memref<128x128xf32, #tpu.memory_space<vmem>>
      %dma_start3A_68 = arith.constant 0 : i32
      %dma_start3A_69 = tpu.memref_slice %arg12[%add3A_42, %dma_start3A_68] : memref<10000x128xf32, #tpu.memory_space<vmem_shared>> -> memref<128x128xf32, #tpu.memory_space<vmem_shared>>
      %dma_start3A_70 = arith.constant 0 : i32
      %dma_start3A_71 = arith.constant 0 : i32
      %dma_start3A_72 = tpu.memref_slice %arg6[%dma_start3A_70, %dma_start3A_71] : memref<128x128xf32, #tpu.memory_space<vmem>> -> memref<128x128xf32, #tpu.memory_space<vmem>>
      %dma_start3A_73 = arith.constant 0 : i32
      %dma_start3A_74 = tpu.memref_slice %arg12[%add3A_42, %dma_start3A_73] : memref<10000x128xf32, #tpu.memory_space<vmem_shared>> -> memref<128x128xf32, #tpu.memory_space<vmem_shared>>
      tpu.enqueue_dma source(%dma_start3A_74 : memref<128x128xf32, #tpu.memory_space<vmem_shared>>) target(%dma_start3A_72 : memref<128x128xf32, #tpu.memory_space<vmem>>) target_semaphore(%run_scoped3A : memref<!tpu.dma_semaphore, #tpu.memory_space<semaphore_mem>>)
      %dma_wait3A = arith.constant 0 : i32
      %dma_wait3A_75 = arith.constant 0 : i32
      %dma_wait3A_76 = tpu.memref_slice %arg6[%dma_wait3A, %dma_wait3A_75] : memref<128x128xf32, #tpu.memory_space<vmem>> -> memref<128x128xf32, #tpu.memory_space<vmem>>
      %dma_wait3A_77 = arith.constant 0 : i32
      %dma_wait3A_78 = tpu.memref_slice %arg12[%add3A_42, %dma_wait3A_77] : memref<10000x128xf32, #tpu.memory_space<vmem_shared>> -> memref<128x128xf32, #tpu.memory_space<vmem_shared>>
      %dma_wait3A_79 = arith.constant 0 : i32
      %dma_wait3A_80 = arith.constant 0 : i32
      %dma_wait3A_81 = tpu.memref_slice %arg6[%dma_wait3A_79, %dma_wait3A_80] : memref<128x128xf32, #tpu.memory_space<vmem>> -> memref<128x128xf32, #tpu.memory_space<vmem>>
      %dma_wait3A_82 = arith.constant 0 : i32
      %dma_wait3A_83 = tpu.memref_slice %arg12[%add3A_42, %dma_wait3A_82] : memref<10000x128xf32, #tpu.memory_space<vmem_shared>> -> memref<128x128xf32, #tpu.memory_space<vmem_shared>>
      tpu.wait_dma2 semaphore(%run_scoped3A : memref<!tpu.dma_semaphore, #tpu.memory_space<semaphore_mem>>) src(%dma_wait3A_83 : memref<128x128xf32, #tpu.memory_space<vmem_shared>>) dst(%dma_wait3A_81 : memref<128x128xf32, #tpu.memory_space<vmem>>)
      tpu.yield
    }) : () -> ()
    %add3A_43 = arith.constant 0 : i32
    %add3A_44 = arith.addi %mul3A_10, %add3A_43 : i32
    "tpu.region"() ({
      %run_scoped3A = tpu.sem_alloc : memref<!tpu.dma_semaphore, #tpu.memory_space<semaphore_mem>>
      %dma_start3A = arith.constant 0 : i32
      %dma_start3A_66 = arith.constant 0 : i32
      %dma_start3A_67 = tpu.memref_slice %arg6[%dma_start3A, %dma_start3A_66] : memref<128x128xf32, #tpu.memory_space<vmem>> -> memref<128x128xf32, #tpu.memory_space<vmem>>
      %dma_start3A_68 = arith.constant 0 : i32
      %dma_start3A_69 = tpu.memref_slice %arg4[%arg0, %add3A_44, %dma_start3A_68] : memref<2x10000x128xf32, #tpu.memory_space<hbm>> -> memref<1x128x128xf32, #tpu.memory_space<hbm>>
      %dma_start3A_70 = tpu.memref_squeeze %dma_start3A_69 : memref<1x128x128xf32, #tpu.memory_space<hbm>> -> memref<128x128xf32, #tpu.memory_space<hbm>>
      %dma_start3A_71 = arith.constant 0 : i32
      %dma_start3A_72 = tpu.memref_slice %arg4[%arg0, %add3A_44, %dma_start3A_71] : memref<2x10000x128xf32, #tpu.memory_space<hbm>> -> memref<1x128x128xf32, #tpu.memory_space<hbm>>
      %dma_start3A_73 = tpu.memref_squeeze %dma_start3A_72 : memref<1x128x128xf32, #tpu.memory_space<hbm>> -> memref<128x128xf32, #tpu.memory_space<hbm>>
      %dma_start3A_74 = arith.constant 0 : i32
      %dma_start3A_75 = arith.constant 0 : i32
      %dma_start3A_76 = tpu.memref_slice %arg6[%dma_start3A_74, %dma_start3A_75] : memref<128x128xf32, #tpu.memory_space<vmem>> -> memref<128x128xf32, #tpu.memory_space<vmem>>
      tpu.enqueue_dma source(%dma_start3A_76 : memref<128x128xf32, #tpu.memory_space<vmem>>) target(%dma_start3A_73 : memref<128x128xf32, #tpu.memory_space<hbm>>) target_semaphore(%run_scoped3A : memref<!tpu.dma_semaphore, #tpu.memory_space<semaphore_mem>>)
      %dma_wait3A = arith.constant 0 : i32
      %dma_wait3A_77 = arith.constant 0 : i32
      %dma_wait3A_78 = tpu.memref_slice %arg6[%dma_wait3A, %dma_wait3A_77] : memref<128x128xf32, #tpu.memory_space<vmem>> -> memref<128x128xf32, #tpu.memory_space<vmem>>
      %dma_wait3A_79 = arith.constant 0 : i32
      %dma_wait3A_80 = tpu.memref_slice %arg4[%arg0, %add3A_44, %dma_wait3A_79] : memref<2x10000x128xf32, #tpu.memory_space<hbm>> -> memref<1x128x128xf32, #tpu.memory_space<hbm>>
      %dma_wait3A_81 = tpu.memref_squeeze %dma_wait3A_80 : memref<1x128x128xf32, #tpu.memory_space<hbm>> -> memref<128x128xf32, #tpu.memory_space<hbm>>
      %dma_wait3A_82 = arith.constant 0 : i32
      %dma_wait3A_83 = tpu.memref_slice %arg4[%arg0, %add3A_44, %dma_wait3A_82] : memref<2x10000x128xf32, #tpu.memory_space<hbm>> -> memref<1x128x128xf32, #tpu.memory_space<hbm>>
      %dma_wait3A_84 = tpu.memref_squeeze %dma_wait3A_83 : memref<1x128x128xf32, #tpu.memory_space<hbm>> -> memref<128x128xf32, #tpu.memory_space<hbm>>
      %dma_wait3A_85 = arith.constant 0 : i32
      %dma_wait3A_86 = arith.constant 0 : i32
      %dma_wait3A_87 = tpu.memref_slice %arg6[%dma_wait3A_85, %dma_wait3A_86] : memref<128x128xf32, #tpu.memory_space<vmem>> -> memref<128x128xf32, #tpu.memory_space<vmem>>
      tpu.wait_dma2 semaphore(%run_scoped3A : memref<!tpu.dma_semaphore, #tpu.memory_space<semaphore_mem>>) src(%dma_wait3A_87 : memref<128x128xf32, #tpu.memory_space<vmem>>) dst(%dma_wait3A_84 : memref<128x128xf32, #tpu.memory_space<hbm>>)
      tpu.yield
    }) : () -> ()
    %add3A_45 = arith.constant 128 : i32
    %add3A_46 = arith.addi %mul3A_10, %add3A_45 : i32
    "tpu.region"() ({
      %run_scoped3A = tpu.sem_alloc : memref<!tpu.dma_semaphore, #tpu.memory_space<semaphore_mem>>
      %dma_start3A = arith.constant 0 : i32
      %dma_start3A_66 = arith.constant 0 : i32
      %dma_start3A_67 = tpu.memref_slice %arg6[%dma_start3A, %dma_start3A_66] : memref<128x128xf32, #tpu.memory_space<vmem>> -> memref<128x128xf32, #tpu.memory_space<vmem>>
      %dma_start3A_68 = arith.constant 0 : i32
      %dma_start3A_69 = tpu.memref_slice %arg12[%add3A_46, %dma_start3A_68] : memref<10000x128xf32, #tpu.memory_space<vmem_shared>> -> memref<128x128xf32, #tpu.memory_space<vmem_shared>>
      %dma_start3A_70 = arith.constant 0 : i32
      %dma_start3A_71 = arith.constant 0 : i32
      %dma_start3A_72 = tpu.memref_slice %arg6[%dma_start3A_70, %dma_start3A_71] : memref<128x128xf32, #tpu.memory_space<vmem>> -> memref<128x128xf32, #tpu.memory_space<vmem>>
      %dma_start3A_73 = arith.constant 0 : i32
      %dma_start3A_74 = tpu.memref_slice %arg12[%add3A_46, %dma_start3A_73] : memref<10000x128xf32, #tpu.memory_space<vmem_shared>> -> memref<128x128xf32, #tpu.memory_space<vmem_shared>>
      tpu.enqueue_dma source(%dma_start3A_74 : memref<128x128xf32, #tpu.memory_space<vmem_shared>>) target(%dma_start3A_72 : memref<128x128xf32, #tpu.memory_space<vmem>>) target_semaphore(%run_scoped3A : memref<!tpu.dma_semaphore, #tpu.memory_space<semaphore_mem>>)
      %dma_wait3A = arith.constant 0 : i32
      %dma_wait3A_75 = arith.constant 0 : i32
      %dma_wait3A_76 = tpu.memref_slice %arg6[%dma_wait3A, %dma_wait3A_75] : memref<128x128xf32, #tpu.memory_space<vmem>> -> memref<128x128xf32, #tpu.memory_space<vmem>>
      %dma_wait3A_77 = arith.constant 0 : i32
      %dma_wait3A_78 = tpu.memref_slice %arg12[%add3A_46, %dma_wait3A_77] : memref<10000x128xf32, #tpu.memory_space<vmem_shared>> -> memref<128x128xf32, #tpu.memory_space<vmem_shared>>
      %dma_wait3A_79 = arith.constant 0 : i32
      %dma_wait3A_80 = arith.constant 0 : i32
      %dma_wait3A_81 = tpu.memref_slice %arg6[%dma_wait3A_79, %dma_wait3A_80] : memref<128x128xf32, #tpu.memory_space<vmem>> -> memref<128x128xf32, #tpu.memory_space<vmem>>
      %dma_wait3A_82 = arith.constant 0 : i32
      %dma_wait3A_83 = tpu.memref_slice %arg12[%add3A_46, %dma_wait3A_82] : memref<10000x128xf32, #tpu.memory_space<vmem_shared>> -> memref<128x128xf32, #tpu.memory_space<vmem_shared>>
      tpu.wait_dma2 semaphore(%run_scoped3A : memref<!tpu.dma_semaphore, #tpu.memory_space<semaphore_mem>>) src(%dma_wait3A_83 : memref<128x128xf32, #tpu.memory_space<vmem_shared>>) dst(%dma_wait3A_81 : memref<128x128xf32, #tpu.memory_space<vmem>>)
      tpu.yield
    }) : () -> ()
    %add3A_47 = arith.constant 128 : i32
    %add3A_48 = arith.addi %mul3A_10, %add3A_47 : i32
    "tpu.region"() ({
      %run_scoped3A = tpu.sem_alloc : memref<!tpu.dma_semaphore, #tpu.memory_space<semaphore_mem>>
      %dma_start3A = arith.constant 0 : i32
      %dma_start3A_66 = arith.constant 0 : i32
      %dma_start3A_67 = tpu.memref_slice %arg6[%dma_start3A, %dma_start3A_66] : memref<128x128xf32, #tpu.memory_space<vmem>> -> memref<128x128xf32, #tpu.memory_space<vmem>>
      %dma_start3A_68 = arith.constant 0 : i32
      %dma_start3A_69 = tpu.memref_slice %arg4[%arg0, %add3A_48, %dma_start3A_68] : memref<2x10000x128xf32, #tpu.memory_space<hbm>> -> memref<1x128x128xf32, #tpu.memory_space<hbm>>
      %dma_start3A_70 = tpu.memref_squeeze %dma_start3A_69 : memref<1x128x128xf32, #tpu.memory_space<hbm>> -> memref<128x128xf32, #tpu.memory_space<hbm>>
      %dma_start3A_71 = arith.constant 0 : i32
      %dma_start3A_72 = tpu.memref_slice %arg4[%arg0, %add3A_48, %dma_start3A_71] : memref<2x10000x128xf32, #tpu.memory_space<hbm>> -> memref<1x128x128xf32, #tpu.memory_space<hbm>>
      %dma_start3A_73 = tpu.memref_squeeze %dma_start3A_72 : memref<1x128x128xf32, #tpu.memory_space<hbm>> -> memref<128x128xf32, #tpu.memory_space<hbm>>
      %dma_start3A_74 = arith.constant 0 : i32
      %dma_start3A_75 = arith.constant 0 : i32
      %dma_start3A_76 = tpu.memref_slice %arg6[%dma_start3A_74, %dma_start3A_75] : memref<128x128xf32, #tpu.memory_space<vmem>> -> memref<128x128xf32, #tpu.memory_space<vmem>>
      tpu.enqueue_dma source(%dma_start3A_76 : memref<128x128xf32, #tpu.memory_space<vmem>>) target(%dma_start3A_73 : memref<128x128xf32, #tpu.memory_space<hbm>>) target_semaphore(%run_scoped3A : memref<!tpu.dma_semaphore, #tpu.memory_space<semaphore_mem>>)
      %dma_wait3A = arith.constant 0 : i32
      %dma_wait3A_77 = arith.constant 0 : i32
      %dma_wait3A_78 = tpu.memref_slice %arg6[%dma_wait3A, %dma_wait3A_77] : memref<128x128xf32, #tpu.memory_space<vmem>> -> memref<128x128xf32, #tpu.memory_space<vmem>>
      %dma_wait3A_79 = arith.constant 0 : i32
      %dma_wait3A_80 = tpu.memref_slice %arg4[%arg0, %add3A_48, %dma_wait3A_79] : memref<2x10000x128xf32, #tpu.memory_space<hbm>> -> memref<1x128x128xf32, #tpu.memory_space<hbm>>
      %dma_wait3A_81 = tpu.memref_squeeze %dma_wait3A_80 : memref<1x128x128xf32, #tpu.memory_space<hbm>> -> memref<128x128xf32, #tpu.memory_space<hbm>>
      %dma_wait3A_82 = arith.constant 0 : i32
      %dma_wait3A_83 = tpu.memref_slice %arg4[%arg0, %add3A_48, %dma_wait3A_82] : memref<2x10000x128xf32, #tpu.memory_space<hbm>> -> memref<1x128x128xf32, #tpu.memory_space<hbm>>
      %dma_wait3A_84 = tpu.memref_squeeze %dma_wait3A_83 : memref<1x128x128xf32, #tpu.memory_space<hbm>> -> memref<128x128xf32, #tpu.memory_space<hbm>>
      %dma_wait3A_85 = arith.constant 0 : i32
      %dma_wait3A_86 = arith.constant 0 : i32
      %dma_wait3A_87 = tpu.memref_slice %arg6[%dma_wait3A_85, %dma_wait3A_86] : memref<128x128xf32, #tpu.memory_space<vmem>> -> memref<128x128xf32, #tpu.memory_space<vmem>>
      tpu.wait_dma2 semaphore(%run_scoped3A : memref<!tpu.dma_semaphore, #tpu.memory_space<semaphore_mem>>) src(%dma_wait3A_87 : memref<128x128xf32, #tpu.memory_space<vmem>>) dst(%dma_wait3A_84 : memref<128x128xf32, #tpu.memory_space<hbm>>)
      tpu.yield
    }) : () -> ()
    %add3A_49 = arith.constant 256 : i32
    %add3A_50 = arith.addi %mul3A_10, %add3A_49 : i32
    "tpu.region"() ({
      %run_scoped3A = tpu.sem_alloc : memref<!tpu.dma_semaphore, #tpu.memory_space<semaphore_mem>>
      %dma_start3A = arith.constant 0 : i32
      %dma_start3A_66 = arith.constant 0 : i32
      %dma_start3A_67 = tpu.memref_slice %arg6[%dma_start3A, %dma_start3A_66] : memref<128x128xf32, #tpu.memory_space<vmem>> -> memref<128x128xf32, #tpu.memory_space<vmem>>
      %dma_start3A_68 = arith.constant 0 : i32
      %dma_start3A_69 = tpu.memref_slice %arg12[%add3A_50, %dma_start3A_68] : memref<10000x128xf32, #tpu.memory_space<vmem_shared>> -> memref<128x128xf32, #tpu.memory_space<vmem_shared>>
      %dma_start3A_70 = arith.constant 0 : i32
      %dma_start3A_71 = arith.constant 0 : i32
      %dma_start3A_72 = tpu.memref_slice %arg6[%dma_start3A_70, %dma_start3A_71] : memref<128x128xf32, #tpu.memory_space<vmem>> -> memref<128x128xf32, #tpu.memory_space<vmem>>
      %dma_start3A_73 = arith.constant 0 : i32
      %dma_start3A_74 = tpu.memref_slice %arg12[%add3A_50, %dma_start3A_73] : memref<10000x128xf32, #tpu.memory_space<vmem_shared>> -> memref<128x128xf32, #tpu.memory_space<vmem_shared>>
      tpu.enqueue_dma source(%dma_start3A_74 : memref<128x128xf32, #tpu.memory_space<vmem_shared>>) target(%dma_start3A_72 : memref<128x128xf32, #tpu.memory_space<vmem>>) target_semaphore(%run_scoped3A : memref<!tpu.dma_semaphore, #tpu.memory_space<semaphore_mem>>)
      %dma_wait3A = arith.constant 0 : i32
      %dma_wait3A_75 = arith.constant 0 : i32
      %dma_wait3A_76 = tpu.memref_slice %arg6[%dma_wait3A, %dma_wait3A_75] : memref<128x128xf32, #tpu.memory_space<vmem>> -> memref<128x128xf32, #tpu.memory_space<vmem>>
      %dma_wait3A_77 = arith.constant 0 : i32
      %dma_wait3A_78 = tpu.memref_slice %arg12[%add3A_50, %dma_wait3A_77] : memref<10000x128xf32, #tpu.memory_space<vmem_shared>> -> memref<128x128xf32, #tpu.memory_space<vmem_shared>>
      %dma_wait3A_79 = arith.constant 0 : i32
      %dma_wait3A_80 = arith.constant 0 : i32
      %dma_wait3A_81 = tpu.memref_slice %arg6[%dma_wait3A_79, %dma_wait3A_80] : memref<128x128xf32, #tpu.memory_space<vmem>> -> memref<128x128xf32, #tpu.memory_space<vmem>>
      %dma_wait3A_82 = arith.constant 0 : i32
      %dma_wait3A_83 = tpu.memref_slice %arg12[%add3A_50, %dma_wait3A_82] : memref<10000x128xf32, #tpu.memory_space<vmem_shared>> -> memref<128x128xf32, #tpu.memory_space<vmem_shared>>
      tpu.wait_dma2 semaphore(%run_scoped3A : memref<!tpu.dma_semaphore, #tpu.memory_space<semaphore_mem>>) src(%dma_wait3A_83 : memref<128x128xf32, #tpu.memory_space<vmem_shared>>) dst(%dma_wait3A_81 : memref<128x128xf32, #tpu.memory_space<vmem>>)
      tpu.yield
    }) : () -> ()
    %add3A_51 = arith.constant 256 : i32
    %add3A_52 = arith.addi %mul3A_10, %add3A_51 : i32
    "tpu.region"() ({
      %run_scoped3A = tpu.sem_alloc : memref<!tpu.dma_semaphore, #tpu.memory_space<semaphore_mem>>
      %dma_start3A = arith.constant 0 : i32
      %dma_start3A_66 = arith.constant 0 : i32
      %dma_start3A_67 = tpu.memref_slice %arg6[%dma_start3A, %dma_start3A_66] : memref<128x128xf32, #tpu.memory_space<vmem>> -> memref<128x128xf32, #tpu.memory_space<vmem>>
      %dma_start3A_68 = arith.constant 0 : i32
      %dma_start3A_69 = tpu.memref_slice %arg4[%arg0, %add3A_52, %dma_start3A_68] : memref<2x10000x128xf32, #tpu.memory_space<hbm>> -> memref<1x128x128xf32, #tpu.memory_space<hbm>>
      %dma_start3A_70 = tpu.memref_squeeze %dma_start3A_69 : memref<1x128x128xf32, #tpu.memory_space<hbm>> -> memref<128x128xf32, #tpu.memory_space<hbm>>
      %dma_start3A_71 = arith.constant 0 : i32
      %dma_start3A_72 = tpu.memref_slice %arg4[%arg0, %add3A_52, %dma_start3A_71] : memref<2x10000x128xf32, #tpu.memory_space<hbm>> -> memref<1x128x128xf32, #tpu.memory_space<hbm>>
      %dma_start3A_73 = tpu.memref_squeeze %dma_start3A_72 : memref<1x128x128xf32, #tpu.memory_space<hbm>> -> memref<128x128xf32, #tpu.memory_space<hbm>>
      %dma_start3A_74 = arith.constant 0 : i32
      %dma_start3A_75 = arith.constant 0 : i32
      %dma_start3A_76 = tpu.memref_slice %arg6[%dma_start3A_74, %dma_start3A_75] : memref<128x128xf32, #tpu.memory_space<vmem>> -> memref<128x128xf32, #tpu.memory_space<vmem>>
      tpu.enqueue_dma source(%dma_start3A_76 : memref<128x128xf32, #tpu.memory_space<vmem>>) target(%dma_start3A_73 : memref<128x128xf32, #tpu.memory_space<hbm>>) target_semaphore(%run_scoped3A : memref<!tpu.dma_semaphore, #tpu.memory_space<semaphore_mem>>)
      %dma_wait3A = arith.constant 0 : i32
      %dma_wait3A_77 = arith.constant 0 : i32
      %dma_wait3A_78 = tpu.memref_slice %arg6[%dma_wait3A, %dma_wait3A_77] : memref<128x128xf32, #tpu.memory_space<vmem>> -> memref<128x128xf32, #tpu.memory_space<vmem>>
      %dma_wait3A_79 = arith.constant 0 : i32
      %dma_wait3A_80 = tpu.memref_slice %arg4[%arg0, %add3A_52, %dma_wait3A_79] : memref<2x10000x128xf32, #tpu.memory_space<hbm>> -> memref<1x128x128xf32, #tpu.memory_space<hbm>>
      %dma_wait3A_81 = tpu.memref_squeeze %dma_wait3A_80 : memref<1x128x128xf32, #tpu.memory_space<hbm>> -> memref<128x128xf32, #tpu.memory_space<hbm>>
      %dma_wait3A_82 = arith.constant 0 : i32
      %dma_wait3A_83 = tpu.memref_slice %arg4[%arg0, %add3A_52, %dma_wait3A_82] : memref<2x10000x128xf32, #tpu.memory_space<hbm>> -> memref<1x128x128xf32, #tpu.memory_space<hbm>>
      %dma_wait3A_84 = tpu.memref_squeeze %dma_wait3A_83 : memref<1x128x128xf32, #tpu.memory_space<hbm>> -> memref<128x128xf32, #tpu.memory_space<hbm>>
      %dma_wait3A_85 = arith.constant 0 : i32
      %dma_wait3A_86 = arith.constant 0 : i32
      %dma_wait3A_87 = tpu.memref_slice %arg6[%dma_wait3A_85, %dma_wait3A_86] : memref<128x128xf32, #tpu.memory_space<vmem>> -> memref<128x128xf32, #tpu.memory_space<vmem>>
      tpu.wait_dma2 semaphore(%run_scoped3A : memref<!tpu.dma_semaphore, #tpu.memory_space<semaphore_mem>>) src(%dma_wait3A_87 : memref<128x128xf32, #tpu.memory_space<vmem>>) dst(%dma_wait3A_84 : memref<128x128xf32, #tpu.memory_space<hbm>>)
      tpu.yield
    }) : () -> ()
    %add3A_53 = arith.constant 384 : i32
    %add3A_54 = arith.addi %mul3A_10, %add3A_53 : i32
    "tpu.region"() ({
      %run_scoped3A = tpu.sem_alloc : memref<!tpu.dma_semaphore, #tpu.memory_space<semaphore_mem>>
      %dma_start3A = arith.constant 0 : i32
      %dma_start3A_66 = arith.constant 0 : i32
      %dma_start3A_67 = tpu.memref_slice %arg6[%dma_start3A, %dma_start3A_66] : memref<128x128xf32, #tpu.memory_space<vmem>> -> memref<128x128xf32, #tpu.memory_space<vmem>>
      %dma_start3A_68 = arith.constant 0 : i32
      %dma_start3A_69 = tpu.memref_slice %arg12[%add3A_54, %dma_start3A_68] : memref<10000x128xf32, #tpu.memory_space<vmem_shared>> -> memref<128x128xf32, #tpu.memory_space<vmem_shared>>
      %dma_start3A_70 = arith.constant 0 : i32
      %dma_start3A_71 = arith.constant 0 : i32
      %dma_start3A_72 = tpu.memref_slice %arg6[%dma_start3A_70, %dma_start3A_71] : memref<128x128xf32, #tpu.memory_space<vmem>> -> memref<128x128xf32, #tpu.memory_space<vmem>>
      %dma_start3A_73 = arith.constant 0 : i32
      %dma_start3A_74 = tpu.memref_slice %arg12[%add3A_54, %dma_start3A_73] : memref<10000x128xf32, #tpu.memory_space<vmem_shared>> -> memref<128x128xf32, #tpu.memory_space<vmem_shared>>
      tpu.enqueue_dma source(%dma_start3A_74 : memref<128x128xf32, #tpu.memory_space<vmem_shared>>) target(%dma_start3A_72 : memref<128x128xf32, #tpu.memory_space<vmem>>) target_semaphore(%run_scoped3A : memref<!tpu.dma_semaphore, #tpu.memory_space<semaphore_mem>>)
      %dma_wait3A = arith.constant 0 : i32
      %dma_wait3A_75 = arith.constant 0 : i32
      %dma_wait3A_76 = tpu.memref_slice %arg6[%dma_wait3A, %dma_wait3A_75] : memref<128x128xf32, #tpu.memory_space<vmem>> -> memref<128x128xf32, #tpu.memory_space<vmem>>
      %dma_wait3A_77 = arith.constant 0 : i32
      %dma_wait3A_78 = tpu.memref_slice %arg12[%add3A_54, %dma_wait3A_77] : memref<10000x128xf32, #tpu.memory_space<vmem_shared>> -> memref<128x128xf32, #tpu.memory_space<vmem_shared>>
      %dma_wait3A_79 = arith.constant 0 : i32
      %dma_wait3A_80 = arith.constant 0 : i32
      %dma_wait3A_81 = tpu.memref_slice %arg6[%dma_wait3A_79, %dma_wait3A_80] : memref<128x128xf32, #tpu.memory_space<vmem>> -> memref<128x128xf32, #tpu.memory_space<vmem>>
      %dma_wait3A_82 = arith.constant 0 : i32
      %dma_wait3A_83 = tpu.memref_slice %arg12[%add3A_54, %dma_wait3A_82] : memref<10000x128xf32, #tpu.memory_space<vmem_shared>> -> memref<128x128xf32, #tpu.memory_space<vmem_shared>>
      tpu.wait_dma2 semaphore(%run_scoped3A : memref<!tpu.dma_semaphore, #tpu.memory_space<semaphore_mem>>) src(%dma_wait3A_83 : memref<128x128xf32, #tpu.memory_space<vmem_shared>>) dst(%dma_wait3A_81 : memref<128x128xf32, #tpu.memory_space<vmem>>)
      tpu.yield
    }) : () -> ()
    %add3A_55 = arith.constant 384 : i32
    %add3A_56 = arith.addi %mul3A_10, %add3A_55 : i32
    "tpu.region"() ({
      %run_scoped3A = tpu.sem_alloc : memref<!tpu.dma_semaphore, #tpu.memory_space<semaphore_mem>>
      %dma_start3A = arith.constant 0 : i32
      %dma_start3A_66 = arith.constant 0 : i32
      %dma_start3A_67 = tpu.memref_slice %arg6[%dma_start3A, %dma_start3A_66] : memref<128x128xf32, #tpu.memory_space<vmem>> -> memref<128x128xf32, #tpu.memory_space<vmem>>
      %dma_start3A_68 = arith.constant 0 : i32
      %dma_start3A_69 = tpu.memref_slice %arg4[%arg0, %add3A_56, %dma_start3A_68] : memref<2x10000x128xf32, #tpu.memory_space<hbm>> -> memref<1x128x128xf32, #tpu.memory_space<hbm>>
      %dma_start3A_70 = tpu.memref_squeeze %dma_start3A_69 : memref<1x128x128xf32, #tpu.memory_space<hbm>> -> memref<128x128xf32, #tpu.memory_space<hbm>>
      %dma_start3A_71 = arith.constant 0 : i32
      %dma_start3A_72 = tpu.memref_slice %arg4[%arg0, %add3A_56, %dma_start3A_71] : memref<2x10000x128xf32, #tpu.memory_space<hbm>> -> memref<1x128x128xf32, #tpu.memory_space<hbm>>
      %dma_start3A_73 = tpu.memref_squeeze %dma_start3A_72 : memref<1x128x128xf32, #tpu.memory_space<hbm>> -> memref<128x128xf32, #tpu.memory_space<hbm>>
      %dma_start3A_74 = arith.constant 0 : i32
      %dma_start3A_75 = arith.constant 0 : i32
      %dma_start3A_76 = tpu.memref_slice %arg6[%dma_start3A_74, %dma_start3A_75] : memref<128x128xf32, #tpu.memory_space<vmem>> -> memref<128x128xf32, #tpu.memory_space<vmem>>
      tpu.enqueue_dma source(%dma_start3A_76 : memref<128x128xf32, #tpu.memory_space<vmem>>) target(%dma_start3A_73 : memref<128x128xf32, #tpu.memory_space<hbm>>) target_semaphore(%run_scoped3A : memref<!tpu.dma_semaphore, #tpu.memory_space<semaphore_mem>>)
      %dma_wait3A = arith.constant 0 : i32
      %dma_wait3A_77 = arith.constant 0 : i32
      %dma_wait3A_78 = tpu.memref_slice %arg6[%dma_wait3A, %dma_wait3A_77] : memref<128x128xf32, #tpu.memory_space<vmem>> -> memref<128x128xf32, #tpu.memory_space<vmem>>
      %dma_wait3A_79 = arith.constant 0 : i32
      %dma_wait3A_80 = tpu.memref_slice %arg4[%arg0, %add3A_56, %dma_wait3A_79] : memref<2x10000x128xf32, #tpu.memory_space<hbm>> -> memref<1x128x128xf32, #tpu.memory_space<hbm>>
      %dma_wait3A_81 = tpu.memref_squeeze %dma_wait3A_80 : memref<1x128x128xf32, #tpu.memory_space<hbm>> -> memref<128x128xf32, #tpu.memory_space<hbm>>
      %dma_wait3A_82 = arith.constant 0 : i32
      %dma_wait3A_83 = tpu.memref_slice %arg4[%arg0, %add3A_56, %dma_wait3A_82] : memref<2x10000x128xf32, #tpu.memory_space<hbm>> -> memref<1x128x128xf32, #tpu.memory_space<hbm>>
      %dma_wait3A_84 = tpu.memref_squeeze %dma_wait3A_83 : memref<1x128x128xf32, #tpu.memory_space<hbm>> -> memref<128x128xf32, #tpu.memory_space<hbm>>
      %dma_wait3A_85 = arith.constant 0 : i32
      %dma_wait3A_86 = arith.constant 0 : i32
      %dma_wait3A_87 = tpu.memref_slice %arg6[%dma_wait3A_85, %dma_wait3A_86] : memref<128x128xf32, #tpu.memory_space<vmem>> -> memref<128x128xf32, #tpu.memory_space<vmem>>
      tpu.wait_dma2 semaphore(%run_scoped3A : memref<!tpu.dma_semaphore, #tpu.memory_space<semaphore_mem>>) src(%dma_wait3A_87 : memref<128x128xf32, #tpu.memory_space<vmem>>) dst(%dma_wait3A_84 : memref<128x128xf32, #tpu.memory_space<hbm>>)
      tpu.yield
    }) : () -> ()
    %add3A_57 = arith.constant 512 : i32
    %add3A_58 = arith.addi %mul3A_10, %add3A_57 : i32
    "tpu.region"() ({
      %run_scoped3A = tpu.sem_alloc : memref<!tpu.dma_semaphore, #tpu.memory_space<semaphore_mem>>
      %dma_start3A = arith.constant 0 : i32
      %dma_start3A_66 = arith.constant 0 : i32
      %dma_start3A_67 = tpu.memref_slice %arg6[%dma_start3A, %dma_start3A_66] : memref<128x128xf32, #tpu.memory_space<vmem>> -> memref<112x128xf32, #tpu.memory_space<vmem>>
      %dma_start3A_68 = arith.constant 0 : i32
      %dma_start3A_69 = tpu.memref_slice %arg12[%add3A_58, %dma_start3A_68] : memref<10000x128xf32, #tpu.memory_space<vmem_shared>> -> memref<112x128xf32, #tpu.memory_space<vmem_shared>>
      %dma_start3A_70 = arith.constant 0 : i32
      %dma_start3A_71 = arith.constant 0 : i32
      %dma_start3A_72 = tpu.memref_slice %arg6[%dma_start3A_70, %dma_start3A_71] : memref<128x128xf32, #tpu.memory_space<vmem>> -> memref<112x128xf32, #tpu.memory_space<vmem>>
      %dma_start3A_73 = arith.constant 0 : i32
      %dma_start3A_74 = tpu.memref_slice %arg12[%add3A_58, %dma_start3A_73] : memref<10000x128xf32, #tpu.memory_space<vmem_shared>> -> memref<112x128xf32, #tpu.memory_space<vmem_shared>>
      tpu.enqueue_dma source(%dma_start3A_74 : memref<112x128xf32, #tpu.memory_space<vmem_shared>>) target(%dma_start3A_72 : memref<112x128xf32, #tpu.memory_space<vmem>>) target_semaphore(%run_scoped3A : memref<!tpu.dma_semaphore, #tpu.memory_space<semaphore_mem>>)
      %dma_wait3A = arith.constant 0 : i32
      %dma_wait3A_75 = arith.constant 0 : i32
      %dma_wait3A_76 = tpu.memref_slice %arg6[%dma_wait3A, %dma_wait3A_75] : memref<128x128xf32, #tpu.memory_space<vmem>> -> memref<112x128xf32, #tpu.memory_space<vmem>>
      %dma_wait3A_77 = arith.constant 0 : i32
      %dma_wait3A_78 = tpu.memref_slice %arg12[%add3A_58, %dma_wait3A_77] : memref<10000x128xf32, #tpu.memory_space<vmem_shared>> -> memref<112x128xf32, #tpu.memory_space<vmem_shared>>
      %dma_wait3A_79 = arith.constant 0 : i32
      %dma_wait3A_80 = arith.constant 0 : i32
      %dma_wait3A_81 = tpu.memref_slice %arg6[%dma_wait3A_79, %dma_wait3A_80] : memref<128x128xf32, #tpu.memory_space<vmem>> -> memref<112x128xf32, #tpu.memory_space<vmem>>
      %dma_wait3A_82 = arith.constant 0 : i32
      %dma_wait3A_83 = tpu.memref_slice %arg12[%add3A_58, %dma_wait3A_82] : memref<10000x128xf32, #tpu.memory_space<vmem_shared>> -> memref<112x128xf32, #tpu.memory_space<vmem_shared>>
      tpu.wait_dma2 semaphore(%run_scoped3A : memref<!tpu.dma_semaphore, #tpu.memory_space<semaphore_mem>>) src(%dma_wait3A_83 : memref<112x128xf32, #tpu.memory_space<vmem_shared>>) dst(%dma_wait3A_81 : memref<112x128xf32, #tpu.memory_space<vmem>>)
      tpu.yield
    }) : () -> ()
    %add3A_59 = arith.constant 512 : i32
    %add3A_60 = arith.addi %mul3A_10, %add3A_59 : i32
    "tpu.region"() ({
      %run_scoped3A = tpu.sem_alloc : memref<!tpu.dma_semaphore, #tpu.memory_space<semaphore_mem>>
      %dma_start3A = arith.constant 0 : i32
      %dma_start3A_66 = arith.constant 0 : i32
      %dma_start3A_67 = tpu.memref_slice %arg6[%dma_start3A, %dma_start3A_66] : memref<128x128xf32, #tpu.memory_space<vmem>> -> memref<112x128xf32, #tpu.memory_space<vmem>>
      %dma_start3A_68 = arith.constant 0 : i32
      %dma_start3A_69 = tpu.memref_slice %arg4[%arg0, %add3A_60, %dma_start3A_68] : memref<2x10000x128xf32, #tpu.memory_space<hbm>> -> memref<1x112x128xf32, #tpu.memory_space<hbm>>
      %dma_start3A_70 = tpu.memref_squeeze %dma_start3A_69 : memref<1x112x128xf32, #tpu.memory_space<hbm>> -> memref<112x128xf32, #tpu.memory_space<hbm>>
      %dma_start3A_71 = arith.constant 0 : i32
      %dma_start3A_72 = tpu.memref_slice %arg4[%arg0, %add3A_60, %dma_start3A_71] : memref<2x10000x128xf32, #tpu.memory_space<hbm>> -> memref<1x112x128xf32, #tpu.memory_space<hbm>>
      %dma_start3A_73 = tpu.memref_squeeze %dma_start3A_72 : memref<1x112x128xf32, #tpu.memory_space<hbm>> -> memref<112x128xf32, #tpu.memory_space<hbm>>
      %dma_start3A_74 = arith.constant 0 : i32
      %dma_start3A_75 = arith.constant 0 : i32
      %dma_start3A_76 = tpu.memref_slice %arg6[%dma_start3A_74, %dma_start3A_75] : memref<128x128xf32, #tpu.memory_space<vmem>> -> memref<112x128xf32, #tpu.memory_space<vmem>>
      tpu.enqueue_dma source(%dma_start3A_76 : memref<112x128xf32, #tpu.memory_space<vmem>>) target(%dma_start3A_73 : memref<112x128xf32, #tpu.memory_space<hbm>>) target_semaphore(%run_scoped3A : memref<!tpu.dma_semaphore, #tpu.memory_space<semaphore_mem>>)
      %dma_wait3A = arith.constant 0 : i32
      %dma_wait3A_77 = arith.constant 0 : i32
      %dma_wait3A_78 = tpu.memref_slice %arg6[%dma_wait3A, %dma_wait3A_77] : memref<128x128xf32, #tpu.memory_space<vmem>> -> memref<112x128xf32, #tpu.memory_space<vmem>>
      %dma_wait3A_79 = arith.constant 0 : i32
      %dma_wait3A_80 = tpu.memref_slice %arg4[%arg0, %add3A_60, %dma_wait3A_79] : memref<2x10000x128xf32, #tpu.memory_space<hbm>> -> memref<1x112x128xf32, #tpu.memory_space<hbm>>
      %dma_wait3A_81 = tpu.memref_squeeze %dma_wait3A_80 : memref<1x112x128xf32, #tpu.memory_space<hbm>> -> memref<112x128xf32, #tpu.memory_space<hbm>>
      %dma_wait3A_82 = arith.constant 0 : i32
      %dma_wait3A_83 = tpu.memref_slice %arg4[%arg0, %add3A_60, %dma_wait3A_82] : memref<2x10000x128xf32, #tpu.memory_space<hbm>> -> memref<1x112x128xf32, #tpu.memory_space<hbm>>
      %dma_wait3A_84 = tpu.memref_squeeze %dma_wait3A_83 : memref<1x112x128xf32, #tpu.memory_space<hbm>> -> memref<112x128xf32, #tpu.memory_space<hbm>>
      %dma_wait3A_85 = arith.constant 0 : i32
      %dma_wait3A_86 = arith.constant 0 : i32
      %dma_wait3A_87 = tpu.memref_slice %arg6[%dma_wait3A_85, %dma_wait3A_86] : memref<128x128xf32, #tpu.memory_space<vmem>> -> memref<112x128xf32, #tpu.memory_space<vmem>>
      tpu.wait_dma2 semaphore(%run_scoped3A : memref<!tpu.dma_semaphore, #tpu.memory_space<semaphore_mem>>) src(%dma_wait3A_87 : memref<112x128xf32, #tpu.memory_space<vmem>>) dst(%dma_wait3A_84 : memref<112x128xf32, #tpu.memory_space<hbm>>)
      tpu.yield
    }) : () -> ()
    "tpu.region"() ({
      %run_scoped3A = tpu.sem_alloc : memref<!tpu.dma_semaphore, #tpu.memory_space<semaphore_mem>>
      %dma_start3A = arith.constant 0 : i32
      %dma_start3A_66 = tpu.memref_slice %arg13[%mul3A_10, %dma_start3A] : memref<10000x16xf32, #tpu.memory_space<vmem_shared>> -> memref<624x16xf32, #tpu.memory_space<vmem_shared>>
      %dma_start3A_67 = arith.constant 0 : i32
      %dma_start3A_68 = tpu.memref_slice %arg13[%mul3A_10, %dma_start3A_67] : memref<10000x16xf32, #tpu.memory_space<vmem_shared>> -> memref<624x16xf32, #tpu.memory_space<vmem_shared>>
      tpu.enqueue_dma source(%dma_start3A_68 : memref<624x16xf32, #tpu.memory_space<vmem_shared>>) target(%arg11 : memref<624x16xf32, #tpu.memory_space<vmem>>) target_semaphore(%run_scoped3A : memref<!tpu.dma_semaphore, #tpu.memory_space<semaphore_mem>>)
      %dma_wait3A = arith.constant 0 : i32
      %dma_wait3A_69 = tpu.memref_slice %arg13[%mul3A_10, %dma_wait3A] : memref<10000x16xf32, #tpu.memory_space<vmem_shared>> -> memref<624x16xf32, #tpu.memory_space<vmem_shared>>
      %dma_wait3A_70 = arith.constant 0 : i32
      %dma_wait3A_71 = tpu.memref_slice %arg13[%mul3A_10, %dma_wait3A_70] : memref<10000x16xf32, #tpu.memory_space<vmem_shared>> -> memref<624x16xf32, #tpu.memory_space<vmem_shared>>
      tpu.wait_dma2 semaphore(%run_scoped3A : memref<!tpu.dma_semaphore, #tpu.memory_space<semaphore_mem>>) src(%dma_wait3A_71 : memref<624x16xf32, #tpu.memory_space<vmem_shared>>) dst(%arg11 : memref<624x16xf32, #tpu.memory_space<vmem>>)
      tpu.yield
    }) : () -> ()
    "tpu.region"() ({
      %run_scoped3A = tpu.sem_alloc : memref<!tpu.dma_semaphore, #tpu.memory_space<semaphore_mem>>
      %dma_start3A = arith.constant 0 : i32
      %dma_start3A_66 = tpu.memref_slice %arg5[%arg0, %mul3A_10, %dma_start3A] : memref<2x10000x16xf32, #tpu.memory_space<hbm>> -> memref<1x624x16xf32, #tpu.memory_space<hbm>>
      %dma_start3A_67 = tpu.memref_squeeze %dma_start3A_66 : memref<1x624x16xf32, #tpu.memory_space<hbm>> -> memref<624x16xf32, #tpu.memory_space<hbm>>
      %dma_start3A_68 = arith.constant 0 : i32
      %dma_start3A_69 = tpu.memref_slice %arg5[%arg0, %mul3A_10, %dma_start3A_68] : memref<2x10000x16xf32, #tpu.memory_space<hbm>> -> memref<1x624x16xf32, #tpu.memory_space<hbm>>
      %dma_start3A_70 = tpu.memref_squeeze %dma_start3A_69 : memref<1x624x16xf32, #tpu.memory_space<hbm>> -> memref<624x16xf32, #tpu.memory_space<hbm>>
      tpu.enqueue_dma source(%arg11 : memref<624x16xf32, #tpu.memory_space<vmem>>) target(%dma_start3A_70 : memref<624x16xf32, #tpu.memory_space<hbm>>) target_semaphore(%run_scoped3A : memref<!tpu.dma_semaphore, #tpu.memory_space<semaphore_mem>>)
      %dma_wait3A = arith.constant 0 : i32
      %dma_wait3A_71 = tpu.memref_slice %arg5[%arg0, %mul3A_10, %dma_wait3A] : memref<2x10000x16xf32, #tpu.memory_space<hbm>> -> memref<1x624x16xf32, #tpu.memory_space<hbm>>
      %dma_wait3A_72 = tpu.memref_squeeze %dma_wait3A_71 : memref<1x624x16xf32, #tpu.memory_space<hbm>> -> memref<624x16xf32, #tpu.memory_space<hbm>>
      %dma_wait3A_73 = arith.constant 0 : i32
      %dma_wait3A_74 = tpu.memref_slice %arg5[%arg0, %mul3A_10, %dma_wait3A_73] : memref<2x10000x16xf32, #tpu.memory_space<hbm>> -> memref<1x624x16xf32, #tpu.memory_space<hbm>>
      %dma_wait3A_75 = tpu.memref_squeeze %dma_wait3A_74 : memref<1x624x16xf32, #tpu.memory_space<hbm>> -> memref<624x16xf32, #tpu.memory_space<hbm>>
      tpu.wait_dma2 semaphore(%run_scoped3A : memref<!tpu.dma_semaphore, #tpu.memory_space<semaphore_mem>>) src(%arg11 : memref<624x16xf32, #tpu.memory_space<vmem>>) dst(%dma_wait3A_75 : memref<624x16xf32, #tpu.memory_space<hbm>>)
      tpu.yield
    }) : () -> ()
    %eq3A_61 = arith.constant 15 : i32
    %eq3A_62 = arith.cmpi eq, %arg1, %eq3A_61 : i32
    %convert_element_type3A_63 = arith.extui %eq3A_62 : i1 to i32
    %cond3A_64 = arith.constant 0 : i32
    %cond3A_65 = arith.cmpi ne, %convert_element_type3A_63, %cond3A_64 : i32
    scf.if %cond3A_65 {
      "tpu.region"() ({
        %run_scoped3A = tpu.sem_alloc : memref<!tpu.dma_semaphore, #tpu.memory_space<semaphore_mem>>
        %dma_start3A = arith.constant 0 : i32
        %dma_start3A_66 = arith.constant 0 : i32
        %dma_start3A_67 = tpu.memref_slice %arg6[%dma_start3A, %dma_start3A_66] : memref<128x128xf32, #tpu.memory_space<vmem>> -> memref<16x128xf32, #tpu.memory_space<vmem>>
        %dma_start3A_68 = arith.constant 9984 : i32
        %dma_start3A_69 = arith.constant 0 : i32
        %dma_start3A_70 = tpu.memref_slice %arg12[%dma_start3A_68, %dma_start3A_69] : memref<10000x128xf32, #tpu.memory_space<vmem_shared>> -> memref<16x128xf32, #tpu.memory_space<vmem_shared>>
        %dma_start3A_71 = arith.constant 0 : i32
        %dma_start3A_72 = arith.constant 0 : i32
        %dma_start3A_73 = tpu.memref_slice %arg6[%dma_start3A_71, %dma_start3A_72] : memref<128x128xf32, #tpu.memory_space<vmem>> -> memref<16x128xf32, #tpu.memory_space<vmem>>
        %dma_start3A_74 = arith.constant 9984 : i32
        %dma_start3A_75 = arith.constant 0 : i32
        %dma_start3A_76 = tpu.memref_slice %arg12[%dma_start3A_74, %dma_start3A_75] : memref<10000x128xf32, #tpu.memory_space<vmem_shared>> -> memref<16x128xf32, #tpu.memory_space<vmem_shared>>
        tpu.enqueue_dma source(%dma_start3A_76 : memref<16x128xf32, #tpu.memory_space<vmem_shared>>) target(%dma_start3A_73 : memref<16x128xf32, #tpu.memory_space<vmem>>) target_semaphore(%run_scoped3A : memref<!tpu.dma_semaphore, #tpu.memory_space<semaphore_mem>>)
        %dma_wait3A = arith.constant 0 : i32
        %dma_wait3A_77 = arith.constant 0 : i32
        %dma_wait3A_78 = tpu.memref_slice %arg6[%dma_wait3A, %dma_wait3A_77] : memref<128x128xf32, #tpu.memory_space<vmem>> -> memref<16x128xf32, #tpu.memory_space<vmem>>
        %dma_wait3A_79 = arith.constant 9984 : i32
        %dma_wait3A_80 = arith.constant 0 : i32
        %dma_wait3A_81 = tpu.memref_slice %arg12[%dma_wait3A_79, %dma_wait3A_80] : memref<10000x128xf32, #tpu.memory_space<vmem_shared>> -> memref<16x128xf32, #tpu.memory_space<vmem_shared>>
        %dma_wait3A_82 = arith.constant 0 : i32
        %dma_wait3A_83 = arith.constant 0 : i32
        %dma_wait3A_84 = tpu.memref_slice %arg6[%dma_wait3A_82, %dma_wait3A_83] : memref<128x128xf32, #tpu.memory_space<vmem>> -> memref<16x128xf32, #tpu.memory_space<vmem>>
        %dma_wait3A_85 = arith.constant 9984 : i32
        %dma_wait3A_86 = arith.constant 0 : i32
        %dma_wait3A_87 = tpu.memref_slice %arg12[%dma_wait3A_85, %dma_wait3A_86] : memref<10000x128xf32, #tpu.memory_space<vmem_shared>> -> memref<16x128xf32, #tpu.memory_space<vmem_shared>>
        tpu.wait_dma2 semaphore(%run_scoped3A : memref<!tpu.dma_semaphore, #tpu.memory_space<semaphore_mem>>) src(%dma_wait3A_87 : memref<16x128xf32, #tpu.memory_space<vmem_shared>>) dst(%dma_wait3A_84 : memref<16x128xf32, #tpu.memory_space<vmem>>)
        tpu.yield
      }) : () -> ()
      "tpu.region"() ({
        %run_scoped3A = tpu.sem_alloc : memref<!tpu.dma_semaphore, #tpu.memory_space<semaphore_mem>>
        %dma_start3A = arith.constant 0 : i32
        %dma_start3A_66 = arith.constant 0 : i32
        %dma_start3A_67 = tpu.memref_slice %arg6[%dma_start3A, %dma_start3A_66] : memref<128x128xf32, #tpu.memory_space<vmem>> -> memref<16x128xf32, #tpu.memory_space<vmem>>
        %dma_start3A_68 = arith.constant 9984 : i32
        %dma_start3A_69 = arith.constant 0 : i32
        %dma_start3A_70 = tpu.memref_slice %arg4[%arg0, %dma_start3A_68, %dma_start3A_69] : memref<2x10000x128xf32, #tpu.memory_space<hbm>> -> memref<1x16x128xf32, #tpu.memory_space<hbm>>
        %dma_start3A_71 = tpu.memref_squeeze %dma_start3A_70 : memref<1x16x128xf32, #tpu.memory_space<hbm>> -> memref<16x128xf32, #tpu.memory_space<hbm>>
        %dma_start3A_72 = arith.constant 9984 : i32
        %dma_start3A_73 = arith.constant 0 : i32
        %dma_start3A_74 = tpu.memref_slice %arg4[%arg0, %dma_start3A_72, %dma_start3A_73] : memref<2x10000x128xf32, #tpu.memory_space<hbm>> -> memref<1x16x128xf32, #tpu.memory_space<hbm>>
        %dma_start3A_75 = tpu.memref_squeeze %dma_start3A_74 : memref<1x16x128xf32, #tpu.memory_space<hbm>> -> memref<16x128xf32, #tpu.memory_space<hbm>>
        %dma_start3A_76 = arith.constant 0 : i32
        %dma_start3A_77 = arith.constant 0 : i32
        %dma_start3A_78 = tpu.memref_slice %arg6[%dma_start3A_76, %dma_start3A_77] : memref<128x128xf32, #tpu.memory_space<vmem>> -> memref<16x128xf32, #tpu.memory_space<vmem>>
        tpu.enqueue_dma source(%dma_start3A_78 : memref<16x128xf32, #tpu.memory_space<vmem>>) target(%dma_start3A_75 : memref<16x128xf32, #tpu.memory_space<hbm>>) target_semaphore(%run_scoped3A : memref<!tpu.dma_semaphore, #tpu.memory_space<semaphore_mem>>)
        %dma_wait3A = arith.constant 0 : i32
        %dma_wait3A_79 = arith.constant 0 : i32
        %dma_wait3A_80 = tpu.memref_slice %arg6[%dma_wait3A, %dma_wait3A_79] : memref<128x128xf32, #tpu.memory_space<vmem>> -> memref<16x128xf32, #tpu.memory_space<vmem>>
        %dma_wait3A_81 = arith.constant 9984 : i32
        %dma_wait3A_82 = arith.constant 0 : i32
        %dma_wait3A_83 = tpu.memref_slice %arg4[%arg0, %dma_wait3A_81, %dma_wait3A_82] : memref<2x10000x128xf32, #tpu.memory_space<hbm>> -> memref<1x16x128xf32, #tpu.memory_space<hbm>>
        %dma_wait3A_84 = tpu.memref_squeeze %dma_wait3A_83 : memref<1x16x128xf32, #tpu.memory_space<hbm>> -> memref<16x128xf32, #tpu.memory_space<hbm>>
        %dma_wait3A_85 = arith.constant 9984 : i32
        %dma_wait3A_86 = arith.constant 0 : i32
        %dma_wait3A_87 = tpu.memref_slice %arg4[%arg0, %dma_wait3A_85, %dma_wait3A_86] : memref<2x10000x128xf32, #tpu.memory_space<hbm>> -> memref<1x16x128xf32, #tpu.memory_space<hbm>>
        %dma_wait3A_88 = tpu.memref_squeeze %dma_wait3A_87 : memref<1x16x128xf32, #tpu.memory_space<hbm>> -> memref<16x128xf32, #tpu.memory_space<hbm>>
        %dma_wait3A_89 = arith.constant 0 : i32
        %dma_wait3A_90 = arith.constant 0 : i32
        %dma_wait3A_91 = tpu.memref_slice %arg6[%dma_wait3A_89, %dma_wait3A_90] : memref<128x128xf32, #tpu.memory_space<vmem>> -> memref<16x128xf32, #tpu.memory_space<vmem>>
        tpu.wait_dma2 semaphore(%run_scoped3A : memref<!tpu.dma_semaphore, #tpu.memory_space<semaphore_mem>>) src(%dma_wait3A_91 : memref<16x128xf32, #tpu.memory_space<vmem>>) dst(%dma_wait3A_88 : memref<16x128xf32, #tpu.memory_space<hbm>>)
        tpu.yield
      }) : () -> ()
      "tpu.region"() ({
        %run_scoped3A = tpu.sem_alloc : memref<!tpu.dma_semaphore, #tpu.memory_space<semaphore_mem>>
        %dma_start3A = arith.constant 0 : i32
        %dma_start3A_66 = arith.constant 0 : i32
        %dma_start3A_67 = tpu.memref_slice %arg11[%dma_start3A, %dma_start3A_66] : memref<624x16xf32, #tpu.memory_space<vmem>> -> memref<16x16xf32, #tpu.memory_space<vmem>>
        %dma_start3A_68 = arith.constant 9984 : i32
        %dma_start3A_69 = arith.constant 0 : i32
        %dma_start3A_70 = tpu.memref_slice %arg13[%dma_start3A_68, %dma_start3A_69] : memref<10000x16xf32, #tpu.memory_space<vmem_shared>> -> memref<16x16xf32, #tpu.memory_space<vmem_shared>>
        %dma_start3A_71 = arith.constant 0 : i32
        %dma_start3A_72 = arith.constant 0 : i32
        %dma_start3A_73 = tpu.memref_slice %arg11[%dma_start3A_71, %dma_start3A_72] : memref<624x16xf32, #tpu.memory_space<vmem>> -> memref<16x16xf32, #tpu.memory_space<vmem>>
        %dma_start3A_74 = arith.constant 9984 : i32
        %dma_start3A_75 = arith.constant 0 : i32
        %dma_start3A_76 = tpu.memref_slice %arg13[%dma_start3A_74, %dma_start3A_75] : memref<10000x16xf32, #tpu.memory_space<vmem_shared>> -> memref<16x16xf32, #tpu.memory_space<vmem_shared>>
        tpu.enqueue_dma source(%dma_start3A_76 : memref<16x16xf32, #tpu.memory_space<vmem_shared>>) target(%dma_start3A_73 : memref<16x16xf32, #tpu.memory_space<vmem>>) target_semaphore(%run_scoped3A : memref<!tpu.dma_semaphore, #tpu.memory_space<semaphore_mem>>)
        %dma_wait3A = arith.constant 0 : i32
        %dma_wait3A_77 = arith.constant 0 : i32
        %dma_wait3A_78 = tpu.memref_slice %arg11[%dma_wait3A, %dma_wait3A_77] : memref<624x16xf32, #tpu.memory_space<vmem>> -> memref<16x16xf32, #tpu.memory_space<vmem>>
        %dma_wait3A_79 = arith.constant 9984 : i32
        %dma_wait3A_80 = arith.constant 0 : i32
        %dma_wait3A_81 = tpu.memref_slice %arg13[%dma_wait3A_79, %dma_wait3A_80] : memref<10000x16xf32, #tpu.memory_space<vmem_shared>> -> memref<16x16xf32, #tpu.memory_space<vmem_shared>>
        %dma_wait3A_82 = arith.constant 0 : i32
        %dma_wait3A_83 = arith.constant 0 : i32
        %dma_wait3A_84 = tpu.memref_slice %arg11[%dma_wait3A_82, %dma_wait3A_83] : memref<624x16xf32, #tpu.memory_space<vmem>> -> memref<16x16xf32, #tpu.memory_space<vmem>>
        %dma_wait3A_85 = arith.constant 9984 : i32
        %dma_wait3A_86 = arith.constant 0 : i32
        %dma_wait3A_87 = tpu.memref_slice %arg13[%dma_wait3A_85, %dma_wait3A_86] : memref<10000x16xf32, #tpu.memory_space<vmem_shared>> -> memref<16x16xf32, #tpu.memory_space<vmem_shared>>
        tpu.wait_dma2 semaphore(%run_scoped3A : memref<!tpu.dma_semaphore, #tpu.memory_space<semaphore_mem>>) src(%dma_wait3A_87 : memref<16x16xf32, #tpu.memory_space<vmem_shared>>) dst(%dma_wait3A_84 : memref<16x16xf32, #tpu.memory_space<vmem>>)
        tpu.yield
      }) : () -> ()
      "tpu.region"() ({
        %run_scoped3A = tpu.sem_alloc : memref<!tpu.dma_semaphore, #tpu.memory_space<semaphore_mem>>
        %dma_start3A = arith.constant 0 : i32
        %dma_start3A_66 = arith.constant 0 : i32
        %dma_start3A_67 = tpu.memref_slice %arg11[%dma_start3A, %dma_start3A_66] : memref<624x16xf32, #tpu.memory_space<vmem>> -> memref<16x16xf32, #tpu.memory_space<vmem>>
        %dma_start3A_68 = arith.constant 9984 : i32
        %dma_start3A_69 = arith.constant 0 : i32
        %dma_start3A_70 = tpu.memref_slice %arg5[%arg0, %dma_start3A_68, %dma_start3A_69] : memref<2x10000x16xf32, #tpu.memory_space<hbm>> -> memref<1x16x16xf32, #tpu.memory_space<hbm>>
        %dma_start3A_71 = tpu.memref_squeeze %dma_start3A_70 : memref<1x16x16xf32, #tpu.memory_space<hbm>> -> memref<16x16xf32, #tpu.memory_space<hbm>>
        %dma_start3A_72 = arith.constant 9984 : i32
        %dma_start3A_73 = arith.constant 0 : i32
        %dma_start3A_74 = tpu.memref_slice %arg5[%arg0, %dma_start3A_72, %dma_start3A_73] : memref<2x10000x16xf32, #tpu.memory_space<hbm>> -> memref<1x16x16xf32, #tpu.memory_space<hbm>>
        %dma_start3A_75 = tpu.memref_squeeze %dma_start3A_74 : memref<1x16x16xf32, #tpu.memory_space<hbm>> -> memref<16x16xf32, #tpu.memory_space<hbm>>
        %dma_start3A_76 = arith.constant 0 : i32
        %dma_start3A_77 = arith.constant 0 : i32
        %dma_start3A_78 = tpu.memref_slice %arg11[%dma_start3A_76, %dma_start3A_77] : memref<624x16xf32, #tpu.memory_space<vmem>> -> memref<16x16xf32, #tpu.memory_space<vmem>>
        tpu.enqueue_dma source(%dma_start3A_78 : memref<16x16xf32, #tpu.memory_space<vmem>>) target(%dma_start3A_75 : memref<16x16xf32, #tpu.memory_space<hbm>>) target_semaphore(%run_scoped3A : memref<!tpu.dma_semaphore, #tpu.memory_space<semaphore_mem>>)
        %dma_wait3A = arith.constant 0 : i32
        %dma_wait3A_79 = arith.constant 0 : i32
        %dma_wait3A_80 = tpu.memref_slice %arg11[%dma_wait3A, %dma_wait3A_79] : memref<624x16xf32, #tpu.memory_space<vmem>> -> memref<16x16xf32, #tpu.memory_space<vmem>>
        %dma_wait3A_81 = arith.constant 9984 : i32
        %dma_wait3A_82 = arith.constant 0 : i32
        %dma_wait3A_83 = tpu.memref_slice %arg5[%arg0, %dma_wait3A_81, %dma_wait3A_82] : memref<2x10000x16xf32, #tpu.memory_space<hbm>> -> memref<1x16x16xf32, #tpu.memory_space<hbm>>
        %dma_wait3A_84 = tpu.memref_squeeze %dma_wait3A_83 : memref<1x16x16xf32, #tpu.memory_space<hbm>> -> memref<16x16xf32, #tpu.memory_space<hbm>>
        %dma_wait3A_85 = arith.constant 9984 : i32
        %dma_wait3A_86 = arith.constant 0 : i32
        %dma_wait3A_87 = tpu.memref_slice %arg5[%arg0, %dma_wait3A_85, %dma_wait3A_86] : memref<2x10000x16xf32, #tpu.memory_space<hbm>> -> memref<1x16x16xf32, #tpu.memory_space<hbm>>
        %dma_wait3A_88 = tpu.memref_squeeze %dma_wait3A_87 : memref<1x16x16xf32, #tpu.memory_space<hbm>> -> memref<16x16xf32, #tpu.memory_space<hbm>>
        %dma_wait3A_89 = arith.constant 0 : i32
        %dma_wait3A_90 = arith.constant 0 : i32
        %dma_wait3A_91 = tpu.memref_slice %arg11[%dma_wait3A_89, %dma_wait3A_90] : memref<624x16xf32, #tpu.memory_space<vmem>> -> memref<16x16xf32, #tpu.memory_space<vmem>>
        tpu.wait_dma2 semaphore(%run_scoped3A : memref<!tpu.dma_semaphore, #tpu.memory_space<semaphore_mem>>) src(%dma_wait3A_91 : memref<16x16xf32, #tpu.memory_space<vmem>>) dst(%dma_wait3A_88 : memref<16x16xf32, #tpu.memory_space<hbm>>)
        tpu.yield
      }) : () -> ()
    } else {
    }
    return
  }
}

module attributes {stable_mosaic.version = 14 : i64} {
  func.func @_combine_body(%arg0: i32, %arg1: memref<2x2000x128xf32, #tpu.memory_space<vmem>>, %arg2: memref<2x2000x16xf32, #tpu.memory_space<vmem>>, %arg3: memref<2000x128xf32, #tpu.memory_space<vmem>>) attributes {dimension_semantics = [#tpu.dimension_semantics<arbitrary>], iteration_bounds = array<i64: 5>, scalar_prefetch = 0 : i64, scratch_operands = 0 : i64, tpu.core_type = #tpu.core_type<tc>, window_params = [{transform_indices = @transform_0, window_bounds = array<i64: 2, 2000, 128>}, {transform_indices = @transform_1, window_bounds = array<i64: 2, 2000, 16>}, {transform_indices = @transform_2, window_bounds = array<i64: 2000, 128>}]} {
    %get3A = arith.constant 0 : index
    %get3A_0 = arith.constant 0 : index
    %get3A_1 = arith.constant 0 : index
    %get3A_2 = vector.load %arg1[%get3A, %get3A_0, %get3A_1] : memref<2x2000x128xf32, #tpu.memory_space<vmem>>, vector<1x2000x128xf32>
    %get3A_3 = vector.shape_cast %get3A_2 : vector<1x2000x128xf32> to vector<2000x128xf32>
    %get3A_4 = arith.constant 1 : index
    %get3A_5 = arith.constant 0 : index
    %get3A_6 = arith.constant 0 : index
    %get3A_7 = vector.load %arg1[%get3A_4, %get3A_5, %get3A_6] : memref<2x2000x128xf32, #tpu.memory_space<vmem>>, vector<1x2000x128xf32>
    %get3A_8 = vector.shape_cast %get3A_7 : vector<1x2000x128xf32> to vector<2000x128xf32>
    %add3A = arith.addf %get3A_3, %get3A_8 : vector<2000x128xf32>
    %get3A_9 = arith.constant 0 : index
    %get3A_10 = arith.constant 0 : index
    %get3A_11 = arith.constant 0 : index
    %get3A_12 = vector.load %arg2[%get3A_9, %get3A_10, %get3A_11] : memref<2x2000x16xf32, #tpu.memory_space<vmem>>, vector<1x2000x1xf32>
    %get3A_13 = vector.shape_cast %get3A_12 : vector<1x2000x1xf32> to vector<2000x1xf32>
    %get3A_14 = arith.constant 1 : index
    %get3A_15 = arith.constant 0 : index
    %get3A_16 = arith.constant 0 : index
    %get3A_17 = vector.load %arg2[%get3A_14, %get3A_15, %get3A_16] : memref<2x2000x16xf32, #tpu.memory_space<vmem>>, vector<1x2000x1xf32>
    %get3A_18 = vector.shape_cast %get3A_17 : vector<1x2000x1xf32> to vector<2000x1xf32>
    %add3A_19 = arith.addf %get3A_13, %get3A_18 : vector<2000x1xf32>
    %max3A = arith.constant 1.000000e+00 : f32
    %max3A_20 = vector.broadcast %max3A : f32 to vector<2000x1xf32>
    %max3A_21 = arith.maximumf %add3A_19, %max3A_20 : vector<2000x1xf32>
    %div3A = vector.broadcast %max3A_21 : vector<2000x1xf32> to vector<2000x128xf32>
    %div3A_22 = arith.divf %add3A, %div3A : vector<2000x128xf32>
    %swap3A = arith.constant 0 : index
    %swap3A_23 = arith.constant 0 : index
    %swap3A_24 = vector.load %arg3[%swap3A, %swap3A_23] : memref<2000x128xf32, #tpu.memory_space<vmem>>, vector<2000x128xf32>
    tpu.vector_store %arg3[%swap3A, %swap3A_23], %div3A_22 {strides = array<i32>} : memref<2000x128xf32, #tpu.memory_space<vmem>>, vector<2000x128xf32>,
    return
  }
  func.func @transform_0(%arg0: i32) -> (i32, i32, i32) {
    %c0_i32 = arith.constant 0 : i32
    %c0_i32_0 = arith.constant 0 : i32
    %c0_i32_1 = arith.constant 0 : i32
    return %c0_i32, %arg0, %c0_i32_0 : i32, i32, i32
  }
  func.func @transform_1(%arg0: i32) -> (i32, i32, i32) {
    %c0_i32 = arith.constant 0 : i32
    %c0_i32_0 = arith.constant 0 : i32
    %c0_i32_1 = arith.constant 0 : i32
    return %c0_i32, %arg0, %c0_i32_0 : i32, i32, i32
  }
  func.func @transform_2(%arg0: i32) -> (i32, i32) {
    %c0_i32 = arith.constant 0 : i32
    %c0_i32_0 = arith.constant 0 : i32
    return %arg0, %c0_i32 : i32, i32
  }
}

</mosaic_0001>

<sc_bundles>
// kernel: kernel.4.cloned.1.call-start
scs
__scs_entry_jumppad:
0x0: {  	(pc) =	sbr.rel $0x88, $3  }
0x1: {  	(tag) =	ssettag $0x0;
	lr =	simm.s32 $0x1  }
0x2: {  	[smem:$0x3F9F] =	sst lr;
	_ =	strace $0xD0000000  }
0x3: {  	_ = 	snop  }
0x4: {  	_ = 	snop  }
0x5: {  	_ = 	snop  }
0x6: {  	_ = 	snop  }
0x7: {  	_ = 	snop  }
__scs_overlays_trampoline_lowered:
0x8: {  	[smem:$0x3FAE] =	sst s0  }
0x9: {  	[smem:$0x3FAF] =	sst s1  }
0xa: {  	[smem:$0x3FB0] =	sst s2  }
0xb: {  	[smem:$0x3FB1] =	sst s3  }
0xc: {  	[smem:$0x3FB2] =	sst s4  }
0xd: {  	[smem:$0x3FB3] =	sst s5  }
0xe: {  	[smem:$0x3FB4] =	sst s6  }
0xf: {  	[smem:$0x3FB5] =	sst s7  }
0x10: {  	[smem:$0x3FB6] =	sst s8  }
0x11: {  	[smem:$0x3FB7] =	sst s9;
	s0 =	simm.s32 @!p0 $0x0  }
0x12: {  	s1 =	sld [smem:$0x3F9D];
	s0 =	simm.s32 @p0 $0x1  }
0x13: {  	[smem:$0x3FB8] =	sst s0;
	s0 =	simm.s32 @!p1 $0x0  }
0x14: {  	s2 =	sld [smem:$0x3F9C];
	s0 =	simm.s32 @p1 $0x1  }
0x15: {  	[smem:$0x3FB9] =	sst s0;
	s0 =	simm.s32 @!p2 $0x0  }
0x16: {  	s3 =	sld [smem:$0x3FDB];
	s0 =	simm.s32 @p2 $0x1  }
0x17: {  	s4 =	simm.s32 $0x1BF5;
	[smem:$0x3FBB] =	sst s0  }
0x18: {  	s0 =	sld [smem:$0x3F9E];
	_ =	swait.ge [sflag:s4], $0x0  }
0x19: {  	s7 =	sld [smem:$0x3F9F]  }
0x1a: {  	s8 =	sadd.s32 $0xFFFFE003, lr  }
0x1b: {  	s9 =	sadd.s32 $0xFFFFFEF7, lr;
	s5 =	simm.s32 $0xFFFFFFFF;
	p2 =	slt.u32 s8, $0xFFFFF086  }
0x1c: {  	p1 =	slt.u32 s9, $0xF7A;
	s5 =	simm.s32 @!p2 $0x0  }
0x1d: {  	s5 =	simm.s32 @p1 $0x1;
	p0 =	seq.s32 s7, s2  }
0x1e: {  	s7 =	smul.u32 @!p0 $0xF7A, s2;
	p2 =	seq.s32 @!p0 s5, $0x0  }
0x1f: {  	s9 =	smul.u32 $0xF7A, s1;
	s8 =	simm.s32 @!p0 $0x1BF5;
	p2 =	por !p2, p0  }
0x20: {  	[sflag:s8] =	ssyncset.s32 @!p0 $0xFFFFF086;
	s6 =	sadd.s32 @!p0 s3, s7;
	s7 =	simm.s32 @!p0 $0x108  }
0x21: {  	s3 =	sadd.s32 s3, s9;
	s6 =	sadd.s32 @!p0 $0x88, s6;
	s7 =	simm.s32 @p2 $0x1082  }
0x22: {  	[simem:s7], [sflag:s8] =	dma.local @!p0 [hbm:s6], $0xF7A  }
0x23: {  	s9 =	sor.u32 $0xD0000000, s2;
	s6 =	simm.s32 $0x108;
	_ =	swait.ge @!p0 [sflag:s8], $0x0  }
0x24: {  	s3 =	sadd.s32 $0x88, s3;
	s6 =	simm.s32 @!p1 $0x1082;
	[sflag:s4] =	ssyncset.s32 $0xFFFFF086  }
0x25: {  	[simem:s6], [sflag:s4] =	dma.local [hbm:s3], $0xF7A  }
0x26: {  	[smem:$0x3F9F] =	sst s1;
	(tag) =	ssettag s2;
	_ =	strace s9  }
0x27: {  	s1 =	sld [smem:$0x3FAF]  }
0x28: {  	s2 =	sld [smem:$0x3FB0]  }
0x29: {  	s4 =	sld [smem:$0x3FB2]  }
0x2a: {  	p0 =	seq.s32 s5, $0x0;
	s5 =	sld [smem:$0x3FB3]  }
0x2b: {  	s6 =	sld [smem:$0x3FB4]  }
0x2c: {  	s7 =	sld [smem:$0x3FB5]  }
0x2d: {  	s3 =	simm.s32 $0x108;
	s8 =	sld [smem:$0x3FB6]  }
0x2e: {  	s3 =	simm.s32 @!p0 $0x1082;
	s9 =	sld [smem:$0x3FB7]  }
0x2f: {  	lr =	sadd.s32 s0, s3;
	s0 =	sld [smem:$0x3FAE]  }
0x30: {  	s3 =	sld [smem:$0x3FB1]  }
0x31: {  	[smem:$0x3FBA] =	sst s10  }
0x32: {  	s10 =	sld [smem:$0x3FB8];
	_ =	sdelay $0x3  }
0x33: {  	p0 =	seq.s32 s10, $0x1;
	s10 =	sld [smem:$0x3FBA];
	_ =	sdelay $0x3  }
0x34: {  	[smem:$0x3FBA] =	sst s10  }
0x35: {  	s10 =	sld [smem:$0x3FB9];
	_ =	sdelay $0x3  }
0x36: {  	p1 =	seq.s32 s10, $0x1;
	s10 =	sld [smem:$0x3FBA];
	_ =	sdelay $0x3  }
0x37: {  	[smem:$0x3FBA] =	sst s10  }
0x38: {  	s10 =	sld [smem:$0x3FBB]  }
0x39: {  	_ = 	snop;
	(pc) =	sbr.ind lr, $3  }
0x3a: {  	_ = 	snop  }
0x3b: {  	_ = 	snop  }
0x3c: {  	p2 =	seq.s32 s10, $0x1;
	s10 =	sld [smem:$0x3FBA]  }
0x3d: {  	_ =	shalt  }
0x3e: {  	_ =	shalt  }
0x3f: {  	_ =	shalt  }
0x40: {  	_ =	shalt  }
0x41: {  	_ =	shalt  }
0x42: {  	_ =	shalt  }
0x43: {  	_ =	shalt  }
0x44: {  	_ =	shalt  }
0x45: {  	_ =	shalt  }
0x46: {  	_ =	shalt  }
0x47: {  	_ =	shalt  }
0x48: {  	_ =	shalt  }
0x49: {  	_ =	shalt  }
0x4a: {  	_ =	shalt  }
0x4b: {  	_ =	shalt  }
0x4c: {  	_ =	shalt  }
0x4d: {  	_ =	shalt  }
0x4e: {  	_ =	shalt  }
0x4f: {  	_ =	shalt  }
0x50: {  	_ =	shalt  }
0x51: {  	_ =	shalt  }
0x52: {  	_ =	shalt  }
0x53: {  	_ =	shalt  }
0x54: {  	_ =	shalt  }
0x55: {  	_ =	shalt  }
0x56: {  	_ =	shalt  }
0x57: {  	_ =	shalt  }
0x58: {  	_ =	shalt  }
0x59: {  	_ =	shalt  }
0x5a: {  	_ =	shalt  }
0x5b: {  	_ =	shalt  }
0x5c: {  	_ =	shalt  }
0x5d: {  	_ =	shalt  }
0x5e: {  	_ =	shalt  }
0x5f: {  	_ =	shalt  }
0x60: {  	_ =	shalt  }
0x61: {  	_ =	shalt  }
0x62: {  	_ =	shalt  }
0x63: {  	_ =	shalt  }
0x64: {  	_ =	shalt  }
0x65: {  	_ =	shalt  }
0x66: {  	_ =	shalt  }
0x67: {  	_ =	shalt  }
0x68: {  	_ =	shalt  }
0x69: {  	_ =	shalt  }
0x6a: {  	_ =	shalt  }
0x6b: {  	_ =	shalt  }
0x6c: {  	_ =	shalt  }
0x6d: {  	_ =	shalt  }
0x6e: {  	_ =	shalt  }
0x6f: {  	_ =	shalt  }
0x70: {  	_ =	shalt  }
0x71: {  	_ =	shalt  }
0x72: {  	_ =	shalt  }
0x73: {  	_ =	shalt  }
0x74: {  	_ =	shalt  }
0x75: {  	_ =	shalt  }
0x76: {  	_ =	shalt  }
0x77: {  	_ =	shalt  }
0x78: {  	_ =	shalt  }
0x79: {  	_ =	shalt  }
0x7a: {  	_ =	shalt  }
0x7b: {  	_ =	shalt  }
0x7c: {  	_ =	shalt  }
0x7d: {  	_ =	shalt  }
0x7e: {  	_ =	shalt  }
0x7f: {  	_ =	shalt  }
0x80: {  	_ =	shalt  }
0x81: {  	_ =	shalt  }
0x82: {  	_ =	shalt  }
0x83: {  	_ =	shalt  }
0x84: {  	_ =	shalt  }
0x85: {  	_ =	shalt  }
0x86: {  	_ =	shalt  }
0x87: {  	_ =	shalt  }
.Lfunc_end0:
.L_simem_size_0:
called_computation_lowered:
.L_overlay_start_0:
0x88: {  	s2 =	sld [smem:$0x3FD9]  }
0x89: {  	s3 =	sld [smem:$0x3FFE];
	_ =	sdelay $0x1  }
0x8a: {  	s1 =	srdreg.scid  }
0x8b: {  	s0 =	sand.u32 $0x1, s1  }
0x8c: {  	s14 =	sshll.u32 s0, $0xA;
	s2 =	sadd.s32 s3, s2  }
0x8d: {  	s2 =	sadd.s32 s2, s14  }
0x8e: {  	[smem:$0x3FC6] =	sst s2  }
0x8f: {  	_ = 	snop  }
0x90: {  	s2 =	sld [smem:$0x3FD0];
	_ =	sdelay $0x1  }
0x91: {  	s15 =	sld [smem:$0x3FC9]  }
0x92: {  	s5 =	simm.s32 $0xA;
	s6 =	simm.s32 $0x10;
	s4 =	sld [smem:$0x3FC8]  }
0x93: {  	[smem:s6], [sflag:s5] =	dma.local [hbm:s2], $0x1  }
0x94: {  	_ =	swait.eq [sflag:s5], $0x1  }
0x95: {  	[sflag:s5] =	ssyncset.done $0x0  }
0x96: {  	[sflag:s5] =	ssyncadd.s32 $0xFFFFFFFF  }
0x97: {  	s16 =	sld [smem:$0x10];
	(tm) =	ssettm $0x1  }
0x98: {  	s17 =	sld [smem:$0x3FFB];
	_ =	sdelay $0x3  }
0x99: {  	_ =	strace s17  }
0x9a: {  	s5 =	sld [smem:$0x3FFC];
	_ =	sdelay $0x3  }
0x9b: {  	_ =	strace s5  }
0x9c: {  	s5 =	sld [smem:$0x3FFD];
	_ =	sdelay $0x3  }
0x9d: {  	_ =	strace s5  }
0x9e: {  	_ =	strace $0x8FFFFFFF  }
0x9f: {  	s18 =	sld [smem:$0x3FDB];
	_ =	sdelay $0x1  }
0xa0: {  	s19 =	simm.s32 $_scs_section_size  }
0xa1: {  	s7 =	simm.s32 $_size__tile_overlayer_lowered;
	s8 =	simm.s32 $_tile_overlayer_lowered  }
0xa2: {  	s22 =	simm.s32 $0x1BFF;
	s21 =	sshll.u32 s8, $0x1;
	s5 =	sadd.s32 s19, s18  }
0xa3: {  	s9 =	simm.s32 $0x0;
	s20 =	sshll.u32 s7, $0x1;
	s7 =	sadd.s32 s21, s5  }
0xa4: {  	[timem:s9], [sflag:s22] =	dma.local [hbm:s7], s20  }
0xa5: {  	_ =	swait.ge [sflag:s22], s20  }
0xa6: {  	s6 =	ssub.s32 $0x0, s20;
	[sflag:s22] =	ssyncset.done $0x0  }
0xa7: {  	[sflag:s22] =	ssyncadd.s32 s6;
	_ =	sdelay $0x1  }
0xa8: {  	s23 =	simm.s32 $0x1B8B  }
0xa9: {  	_ =	swait.ge [sflag:s23], $0x1  }
0xaa: {  	[sflag:s23] =	ssyncset.done $0x0  }
0xab: {  	s25 =	simm.s32 $0x1B8E;
	s24 =	sld [smem:$0x3FFE];
	[sflag:s23] =	ssyncadd.s32 $0xFFFFFFFF  }
0xac: {  	s26 =	simm.s32 $execute0_lowered;
	[smem:$0x3FD2] =	sst s25  }
0xad: {  	s7 =	sshll.u32 s26, $0x1;
	_ =	strace $0x80000046;
	[dreg:$0x1] =	wrdreg $0xFFFFFFFF  }
0xae: {  	s28 =	simm.s32 $_size_execute0_lowered;
	s5 =	sadd.s32 s5, s7;
	[dreg:$0x0] =	wrdreg $0x0  }
0xaf: {  	s7 =	sshll.u32 s28, $0x1;
	[dreg:$0x2] =	wrdreg s5  }
0xb0: {  	[dreg:$0x3] =	wrdreg s7  }
0xb1: {  	[dreg:$0x4] =	wrdreg $0xC0  }
0xb2: {  	_ =	task [dreg:s9], $0x5FFFF  }
0xb3: {  	[dreg:$0x1] =	wrdreg $0xFFFFFFFF  }
0xb4: {  	[dreg:$0x0] =	wrdreg $0x60  }
0xb5: {  	[dreg:$0x2] =	wrdreg s15  }
0xb6: {  	[dreg:$0x3] =	wrdreg s4  }
0xb7: {  	[dreg:$0x4] =	wrdreg s24  }
0xb8: {  	[dreg:$0x5] =	wrdreg s16  }
0xb9: {  	[dreg:$0x6] =	wrdreg $0x77900  }
0xba: {  	[dreg:$0x7] =	wrdreg $0x1B0100  }
0xbb: {  	[dreg:$0x8] =	wrdreg $0x9  }
0xbc: {  	_ =	task.clear_ibuf [dreg:s9], $0x9FFFF;
	_ =	strace $0x90000046  }
0xbd: {  	s29 =	simm.s32 $0x9;
	_ =	strace $0x80000048  }
0xbe: {  	_ =	swait.ge [sflag:s29], $0x1  }
0xbf: {  	[sflag:s29] =	ssyncadd.s32 $0xFFFFFFFF  }
0xc0: {  	_ =	strace $0x90000048  }
0xc1: {  	_ =	sfence  }
0xc2: {  	s30 =	sld [smem:$0x0];
	_ =	sdelay $0x2  }
0xc3: {  	s31 =	sshll.u32 s1, $0xD;
	s1 =	sshrl.u32 s1, $0x2  }
0xc4: {  	s3 =	sand.u32 $0x4000, s31;
	s1 =	sadd.s32 s1, s30  }
0xc5: {  	s0 =	sor.u32 s3, s0;
	s1 =	sshll.u32 s1, $0x11  }
0xc6: {  	s0 =	sor.u32 s1, s0  }
0xc7: {  	s0 =	sadd.s32 $0x8F2B, s0  }
0xc8: {  	[sflag:s0] =	ssyncadd.remote.s32 $0x1  }
0xc9: {  	_ =	sfence.sel $0xFFFF  }
0xca: {  	[dreg:$0x0] =	wrdreg $0xFFFFFFFF;
	(pc) =	sbr.abs _section_cstart, $3  }
0xcb: {  	[dreg:$0x1] =	wrdreg $0xFFFFFFFF  }
0xcc: {  	_ =	task.clear_ibuf [dreg:s9], $0x2FFFF;
	_ =	strace $0x9FFFFFFF  }
0xcd: {  	(tm) =	ssettm $0x7FFFFFFF  }
tec
execute0_lowered:
.L_overlay_start_1:
0x0: {  	(tag) =	ssettag $0x1  }
0x1: {  	s2 =	rddreg [dreg:$0x0]  }
0x2: {  	s0 =	srdreg.scid;
	s3 =	rddreg [dreg:$0x2]  }
0x3: {  	s5 =	rddreg [dreg:$0x3];
	s20 =	stileid.u32  }
0x4: {  	s1 =	simm.s32 $0x0;
	s31 =	simm.s32 $0x1;
	s6 =	smul.u32 $0x270, s20  }
0x5: {  	s4 =	sand.u32 $0x1, s0;
	s3 =	sadd.s32 $0xA00, s3;
	s10 =	smul.u32 $0x13800, s20  }
0x6: {  	[smem:$0x7FF] =	sst s1;
	p0 =	sne.s32 s20, $0xF;
	s0 =	sshll.u32 s4, $0x4  }
0x7: {  	s7 =	ssub.s32 $0x2, s4;
	s9 =	smul.u32 $0x138800, s4;
	s0 =	sor.u32 s20, s0  }
0x8: {  	s11 =	sshrl.u32 s7, $0x1;
	s13 =	sadd.s32 $0x80, s6;
	s18 =	sadd.s32 $0x100, s6  }
0x9: {  	s22 =	sadd.s32 $0x180, s6;
	s6 =	sadd.s32 $0x200, s6;
	s8 =	smul.u32 $0x2710, s0  }
0xa: {  	s0 =	ssub.s32 s7, s11;
	s7 =	smul.u32 $0x2700, s20;
	s17 =	sshll.u32 s13, $0x7  }
0xb: {  	s19 =	sshll.u32 s18, $0x7;
	s21 =	sshll.u32 s22, $0x7;
	s23 =	sshll.u32 s6, $0x7  }
0xc: {  	s11 =	sadd.s32 s10, s9;
	s13 =	sshll.u32 s13, $0x4;
	s18 =	sshll.u32 s18, $0x4  }
0xd: {  	s12 =	sadd.s32 s9, s17;
	s11 =	sshrl.u32 s11, $0x3;
	s14 =	sadd.s32 s9, s19  }
0xe: {  	s15 =	sadd.s32 s9, s21;
	s24 =	sadd.s32 s9, s23;
	s9 =	sshrl.u32 s9, $0x3  }
0xf: {  	s28 =	smax.u32 s0, $0x1;
	s0 =	simm.s32 $0x4000;
	s8 =	sadd.s32 $0x2700, s8  }
0x10: {  	s12 =	sshrl.u32 s12, $0x3;
	s11 =	sadd.s32 s3, s11;
	s16 =	sshrl.u32 s15, $0x3  }
0x11: {  	[dreg:$0x7] =	wrdreg s11;
	s11 =	sshrl.u32 s14, $0x3;
	s14 =	smul.u32 $0x27100, s4  }
0x12: {  	s25 =	sshrl.u32 s24, $0x3;
	s12 =	sadd.s32 s3, s12;
	s4 =	smul.u32 $0x271000, s4  }
0x13: {  	s24 =	sshll.u32 s8, $0x4;
	[dreg:$0x8] =	wrdreg s12;
	s11 =	sadd.s32 s3, s11  }
0x14: {  	s8 =	sshrl.u32 s8, $0x3;
	[dreg:$0x9] =	wrdreg s11;
	s11 =	sadd.s32 s3, s16  }
0x15: {  	s26 =	sadd.s32 s7, s14;
	s15 =	sshrl.u32 s14, $0x3;
	s16 =	smul.u32 $0x27100, s20  }
0x16: {  	[dreg:$0xa] =	wrdreg s11;
	s11 =	sadd.s32 s3, s25;
	s12 =	sshrl.u32 s26, $0x3  }
0x17: {  	s3 =	sadd.s32 s3, s9;
	s25 =	smul.u32 $0x2710, s20;
	s26 =	rddreg [dreg:$0x1]  }
0x18: {  	[dreg:$0xb] =	wrdreg s11;
	s11 =	sadd.s32 s5, s12;
	s5 =	sadd.s32 s5, s15  }
0x19: {  	s8 =	sadd.s32 s26, s8;
	[dreg:$0xc] =	wrdreg s11;
	s11 =	sadd.s32 s2, s24  }
0x1a: {  	s2 =	sadd.s32 s4, s2;
	s12 =	sadd.s32 s25, s14;
	[dreg:$0xe] =	wrdreg s8  }
0x1b: {  	s25 =	sshll.u32 s22, $0x4;
	s4 =	simm.s32 $0x4080;
	[dreg:$0xd] =	wrdreg s11  }
0x1c: {  	s9 =	sadd.s32 s16, s2;
	s11 =	rddreg [dreg:$0x4];
	s2 =	sshrl.u32 s12, $0x3  }
0x1d: {  	s12 =	rddreg [dreg:$0x5];
	s14 =	sadd.s32 s2, s26;
	_ =	strace $0x80000047  }
0x1e: {  	s15 =	sadd.s32 s10, s11;
	s16 =	sadd.s32 s7, s12;
	s17 =	sadd.s32 s17, s11  }
0x1f: {  	s2 =	sadd.s32 s13, s12;
	s19 =	sadd.s32 s19, s11;
	s24 =	sadd.s32 s18, s12  }
0x20: {  	s21 =	sadd.s32 s21, s11;
	s26 =	sshll.u32 s6, $0x4;
	s23 =	sadd.s32 s23, s11  }
0x21: {  	s29 =	sadd.s32 $0x138000, s11;
	s30 =	sadd.s32 $0x27000, s12;
	s10 =	simm.s32 $0x4890  }
0x22: {  	s6 =	simm.s32 $0x5090;
	s7 =	simm.s32 $0x0;
	[dreg:$0xf] =	wrdreg s2  }
0x23: {  	[dreg:$0x10] =	wrdreg s24;
	s2 =	sadd.s32 s25, s12;
	s24 =	sadd.s32 s26, s12  }
0x24: {  	s25 =	sadd.s32 $0x27000, s3;
	s26 =	sadd.s32 $0x4E00, s5;
	s3 =	simm.s32 $0x4090  }
0x25: {  	v0 =	vimm.f32 $0.0e+00;
	v1 =	vimm.f32 $1.000000000e+00;
	s5 =	simm.s32 $0x10;
	[dreg:$0x11] =	wrdreg s2;
	s2 =	simm.s32 $0x80  }
.LBB2_1:
0x26: {  	s8 =	simm.s32 $0x40  }
0x27: {  	[tilespmem:s8+$0x20] =	vst v0  }
0x28: {  	[tilespmem:s8+$0x10] =	vst v0  }
0x29: {  	[tilespmem:s8+$0x0] =	vst v0  }
0x2a: {  	[tilespmem:s8+$0xFFFFFFF0] =	vst v0  }
0x2b: {  	[tilespmem:s8+$0xFFFFFFE0] =	vst v0  }
0x2c: {  	[tilespmem:s8+$0xFFFFFFD0] =	vst v0  }
0x2d: {  	[tilespmem:s8+$0xFFFFFFC0] =	vst v0  }
0x2e: {  	s18 =	simm.s32 $0x0;
	s13 =	simm.s32 $0x40;
	[tilespmem:s8+$0x30] =	vst v0  }
.LBB2_2:
0x2f: {  	p1 =	sne.s32 s13, $0x1FC0;
	[tilespmem:s18+$0x4890] =	vst v0  }
0x30: {  	s8 =	sadd.s32 $0x80, s8;
	[tilespmem:s18+$0x4090] =	vst v1  }
0x31: {  	[tilespmem:s8+$0x20] =	vst v0  }
0x32: {  	[tilespmem:s8+$0x10] =	vst v0  }
0x33: {  	[tilespmem:s8+$0x0] =	vst v0  }
.Ltmp0:
0x34: {  	[tilespmem:s8+$0xFFFFFFF0] =	vst v0;
	(pc) =	sbr.rel @p1 .LBB2_2-.Ltmp0, $4  }
0x35: {  	[tilespmem:s8+$0xFFFFFFE0] =	vst v0  }
0x36: {  	[tilespmem:s8+$0xFFFFFFD0] =	vst v0  }
0x37: {  	[tilespmem:s8+$0xFFFFFFC0] =	vst v0  }
0x38: {  	s18 =	sshra.s32 s13, $0x2;
	s13 =	sadd.s32 $0x40, s13;
	[tilespmem:s8+$0x30] =	vst v0  }
0x39: {  	[tilespmem:s18+$0x4890] =	vst v0  }
0x3a: {  	[tilespmem:s18+$0x4090] =	vst v1  }
0x3b: {  	[spmem:s15] =	stream.linear.scatter [tilespmem:s1], [sflag:$0x1], $0x4000, $0x38;
	[tilespmem:$0x1D720] =	vst v63  }
0x3c: {  	_ =	swait.ge [sflag:s31], $0x4000  }
0x3d: {  	[sflag:s31] =	ssyncset.done $0x0  }
0x3e: {  	[sflag:s31] =	ssyncadd.s32 $0xFFFFC000  }
0x3f: {  	[spmem:s16] =	stream.linear.scatter [tilespmem:s10], [sflag:$0x1], $0x800, $0x38;
	[tilespmem:$0x1D720] =	vst v63  }
0x40: {  	_ =	swait.ge [sflag:s31], $0x800  }
0x41: {  	[sflag:s31] =	ssyncset.done $0x0  }
0x42: {  	[sflag:s31] =	ssyncadd.s32 $0xFFFFF800  }
0x43: {  	[spmem:s17] =	stream.linear.scatter [tilespmem:s1], [sflag:$0x1], $0x4000, $0x38;
	[tilespmem:$0x1D720] =	vst v63  }
0x44: {  	_ =	swait.ge [sflag:s31], $0x4000  }
0x45: {  	[sflag:s31] =	ssyncset.done $0x0  }
0x46: {  	s8 =	rddreg [dreg:$0xf];
	[sflag:s31] =	ssyncadd.s32 $0xFFFFC000  }
0x47: {  	[spmem:s8] =	stream.linear.scatter [tilespmem:s10], [sflag:$0x1], $0x800, $0x38;
	[tilespmem:$0x1D720] =	vst v63  }
0x48: {  	_ =	swait.ge [sflag:s31], $0x800  }
0x49: {  	[sflag:s31] =	ssyncset.done $0x0  }
0x4a: {  	[sflag:s31] =	ssyncadd.s32 $0xFFFFF800  }
0x4b: {  	[spmem:s19] =	stream.linear.scatter [tilespmem:s1], [sflag:$0x1], $0x4000, $0x38;
	[tilespmem:$0x1D720] =	vst v63  }
0x4c: {  	_ =	swait.ge [sflag:s31], $0x4000  }
0x4d: {  	[sflag:s31] =	ssyncset.done $0x0  }
0x4e: {  	s18 =	rddreg [dreg:$0x10];
	[sflag:s31] =	ssyncadd.s32 $0xFFFFC000  }
0x4f: {  	[spmem:s18] =	stream.linear.scatter [tilespmem:s10], [sflag:$0x1], $0x800, $0x38;
	[tilespmem:$0x1D720] =	vst v63  }
0x50: {  	_ =	swait.ge [sflag:s31], $0x800  }
0x51: {  	[sflag:s31] =	ssyncset.done $0x0  }
0x52: {  	[sflag:s31] =	ssyncadd.s32 $0xFFFFF800  }
0x53: {  	[spmem:s21] =	stream.linear.scatter [tilespmem:s1], [sflag:$0x1], $0x4000, $0x38;
	[tilespmem:$0x1D720] =	vst v63  }
0x54: {  	_ =	swait.ge [sflag:s31], $0x4000  }
0x55: {  	[sflag:s31] =	ssyncset.done $0x0  }
0x56: {  	s20 =	rddreg [dreg:$0x11];
	[sflag:s31] =	ssyncadd.s32 $0xFFFFC000  }
0x57: {  	[spmem:s20] =	stream.linear.scatter [tilespmem:s10], [sflag:$0x1], $0x800, $0x38;
	[tilespmem:$0x1D720] =	vst v63  }
0x58: {  	_ =	swait.ge [sflag:s31], $0x800  }
0x59: {  	[sflag:s31] =	ssyncset.done $0x0  }
0x5a: {  	[sflag:s31] =	ssyncadd.s32 $0xFFFFF800  }
0x5b: {  	[spmem:s23] =	stream.linear.scatter [tilespmem:s1], [sflag:$0x1], $0x3800, $0x38;
	[tilespmem:$0x1D720] =	vst v63  }
0x5c: {  	_ =	swait.ge [sflag:s31], $0x3800  }
0x5d: {  	[sflag:s31] =	ssyncset.done $0x0  }
0x5e: {  	[sflag:s31] =	ssyncadd.s32 $0xFFFFC800  }
0x5f: {  	[spmem:s24] =	stream.linear.scatter [tilespmem:s10], [sflag:$0x1], $0x700, $0x38;
	[tilespmem:$0x1D720] =	vst v63  }
0x60: {  	_ =	swait.ge [sflag:s31], $0x700  }
0x61: {  	[sflag:s31] =	ssyncset.done $0x0  }
0x62: {  	s8 =	simm.s32 @!p0 $0x0;
	[sflag:s31] =	ssyncadd.s32 $0xFFFFF900  }
0x63: {  	[spmem:s29] =	stream.linear.scatter @!p0 [tilespmem:s8], [sflag:$0x1], $0x800, $0x38;
	[tilespmem:$0x1D720] =	vst v63  }
0x64: {  	s8 =	simm.s32 @!p0 $0x1  }
0x65: {  	_ =	swait.ge @!p0 [sflag:s8], $0x800  }
0x66: {  	[sflag:s8] =	ssyncset.done @!p0 $0x0  }
0x67: {  	s13 =	simm.s32 @!p0 $0x4890;
	[sflag:s8] =	ssyncadd.s32 @!p0 $0xFFFFF800  }
0x68: {  	[spmem:s30] =	stream.linear.scatter @!p0 [tilespmem:s13], [sflag:$0x1], $0x100, $0x38;
	[tilespmem:$0x1D720] =	vst v63  }
0x69: {  	_ =	swait.ge @!p0 [sflag:s8], $0x100  }
0x6a: {  	[sflag:s8] =	ssyncset.done @!p0 $0x0  }
0x6b: {  	[sflag:s8] =	ssyncadd.s32 @!p0 $0xFFFFFF00  }
0x6c: {  	s22 =	sadd.s32 $0x0, s14;
	[bflag:$0x0] =	sbarrier.arrive $0xFFFF  }
0x6d: {  	[tilespmem:s0], [sflag:$0x1] =	stream.linear.gather [hbm4b:s22+s1], $0x80, $0x38;
	[tilespmem:$0x1D720] =	vst v63  }
0x6e: {  	_ =	swait.ge [sflag:s31], $0x80  }
0x6f: {  	[sflag:s31] =	ssyncset.done $0x0  }
0x70: {  	[sflag:s31] =	ssyncadd.s32 $0xFFFFFF80  }
0x71: {  	[tilespmem:s1], [sflag:$0x1] =	stream.linear.gather [hbm4b:s9+s1], $0x4000, $0x38;
	[tilespmem:$0x1D720] =	vst v63  }
0x72: {  	_ =	swait.ge [sflag:s31], $0x4000  }
0x73: {  	[sflag:s31] =	ssyncset.done $0x0  }
0x74: {  	[sflag:s31] =	ssyncadd.s32 $0xFFFFC000  }
0x75: {  	[spmem:s11] =	stream.indirect.scatter.add.f32 [tilespmem:s1], [sflag:$0x1], $0x80, s0, s2, $0xb8;
	[tilespmem:$0x1D720] =	vst v63  }
0x76: {  	_ =	swait.ge [sflag:s31], $0x4000  }
0x77: {  	[sflag:s31] =	ssyncset.done $0x0  }
0x78: {  	[sflag:s31] =	ssyncadd.s32 $0xFFFFC000  }
0x79: {  	[spmem:s12] =	stream.indirect.scatter.add.f32 [tilespmem:s3], [sflag:$0x1], $0x10, s0, s2, $0xb8;
	[tilespmem:$0x1D720] =	vst v63  }
0x7a: {  	s18 =	simm.s32 $0x20;
	_ =	swait.ge [sflag:s31], $0x800  }
0x7b: {  	s13 =	simm.s32 $0x10;
	s8 =	sadd.s32 $0x800, s9;
	[sflag:s31] =	ssyncset.done $0x0  }
.LBB2_4:
0x7c: {  	s20 =	sadd.s32 s13, s14  }
0x7d: {  	[sflag:s31] =	ssyncadd.s32 $0xFFFFF800;
	s13 =	smov.u32 s18;
	s22 =	sadd.s32 $0x10, s18  }
0x7e: {  	[tilespmem:s0], [sflag:$0x1] =	stream.linear.gather [hbm4b:s20+s1], $0x80, $0x38;
	[tilespmem:$0x1D720] =	vst v63  }
0x7f: {  	p1 =	sne.s32 s18, $0x4D0;
	_ =	swait.ge [sflag:s31], $0x80  }
0x80: {  	[sflag:s31] =	ssyncset.done $0x0  }
0x81: {  	[sflag:s31] =	ssyncadd.s32 $0xFFFFFF80  }
0x82: {  	[tilespmem:s1], [sflag:$0x1] =	stream.linear.gather [hbm4b:s8+s1], $0x4000, $0x38;
	[tilespmem:$0x1D720] =	vst v63  }
0x83: {  	_ =	swait.ge [sflag:s31], $0x4000  }
0x84: {  	[sflag:s31] =	ssyncset.done $0x0  }
0x85: {  	[sflag:s31] =	ssyncadd.s32 $0xFFFFC000  }
0x86: {  	[spmem:s11] =	stream.indirect.scatter.add.f32 [tilespmem:s1], [sflag:$0x1], $0x80, s0, s2, $0xb8;
	[tilespmem:$0x1D720] =	vst v63  }
0x87: {  	_ =	swait.ge [sflag:s31], $0x4000  }
.Ltmp1:
0x88: {  	[sflag:s31] =	ssyncset.done $0x0;
	(pc) =	sbr.rel @p1 .LBB2_4-.Ltmp1, $4  }
0x89: {  	[sflag:s31] =	ssyncadd.s32 $0xFFFFC000  }
0x8a: {  	[spmem:s12] =	stream.indirect.scatter.add.f32 [tilespmem:s3], [sflag:$0x1], $0x10, s0, s2, $0xb8;
	[tilespmem:$0x1D720] =	vst v63  }
0x8b: {  	_ =	swait.ge [sflag:s31], $0x800  }
0x8c: {  	s18 =	smov.u32 s22;
	s8 =	sadd.s32 $0x800, s8;
	[sflag:s31] =	ssyncset.done $0x0  }
0x8d: {  	s13 =	sadd.s32 s13, s14;
	[sflag:s31] =	ssyncadd.s32 $0xFFFFF800  }
0x8e: {  	[tilespmem:s0], [sflag:$0x1] =	stream.linear.gather [hbm4b:s13+s1], $0x80, $0x38;
	[tilespmem:$0x1D720] =	vst v63  }
0x8f: {  	_ =	swait.ge [sflag:s31], $0x80  }
0x90: {  	[sflag:s31] =	ssyncset.done $0x0  }
0x91: {  	[sflag:s31] =	ssyncadd.s32 $0xFFFFFF80  }
0x92: {  	[tilespmem:s1], [sflag:$0x1] =	stream.linear.gather [hbm4b:s8+s1], $0x4000, $0x38;
	[tilespmem:$0x1D720] =	vst v63  }
0x93: {  	_ =	swait.ge [sflag:s31], $0x4000  }
0x94: {  	[sflag:s31] =	ssyncset.done $0x0  }
0x95: {  	[sflag:s31] =	ssyncadd.s32 $0xFFFFC000  }
0x96: {  	[spmem:s11] =	stream.indirect.scatter.add.f32 [tilespmem:s1], [sflag:$0x1], $0x80, s0, s2, $0xb8;
	[tilespmem:$0x1D720] =	vst v63  }
0x97: {  	_ =	swait.ge [sflag:s31], $0x4000  }
0x98: {  	[sflag:s31] =	ssyncset.done $0x0  }
0x99: {  	[sflag:s31] =	ssyncadd.s32 $0xFFFFC000  }
0x9a: {  	[spmem:s12] =	stream.indirect.scatter.add.f32 [tilespmem:s3], [sflag:$0x1], $0x10, s0, s2, $0xb8;
	[tilespmem:$0x1D720] =	vst v63  }
0x9b: {  	_ =	swait.ge [sflag:s31], $0x800  }
0x9c: {  	[sflag:s31] =	ssyncset.done $0x0  }
0x9d: {  	s13 =	rddreg [dreg:$0xe];
	[sflag:s31] =	ssyncadd.s32 $0xFFFFF800  }
0x9e: {  	[tilespmem:s4], [sflag:$0x1] =	stream.linear.gather [hbm4b:s13+s1], $0x10, $0x38;
	[tilespmem:$0x1D720] =	vst v63  }
0x9f: {  	_ =	swait.ge [sflag:s31], $0x10  }
0xa0: {  	[sflag:s31] =	ssyncset.done $0x0  }
0xa1: {  	s18 =	rddreg [dreg:$0xd];
	[sflag:s31] =	ssyncadd.s32 $0xFFFFFFF0  }
0xa2: {  	[tilespmem:s1], [sflag:$0x1] =	stream.linear.gather [hbm4b:s18+s1], $0x800, $0x38;
	[tilespmem:$0x1D720] =	vst v63  }
0xa3: {  	_ =	swait.ge [sflag:s31], $0x800  }
0xa4: {  	[sflag:s31] =	ssyncset.done $0x0  }
0xa5: {  	[sflag:s31] =	ssyncadd.s32 $0xFFFFF800  }
0xa6: {  	[spmem:s11] =	stream.indirect.scatter.add.f32 [tilespmem:s1], [sflag:$0x1], $0x80, s4, s5, $0xb8;
	[tilespmem:$0x1D720] =	vst v63  }
0xa7: {  	_ =	swait.ge [sflag:s31], $0x800  }
0xa8: {  	[sflag:s31] =	ssyncset.done $0x0  }
0xa9: {  	[sflag:s31] =	ssyncadd.s32 $0xFFFFF800  }
0xaa: {  	[spmem:s12] =	stream.indirect.scatter.add.f32 [tilespmem:s3], [sflag:$0x1], $0x10, s4, s5, $0xb8;
	[tilespmem:$0x1D720] =	vst v63  }
0xab: {  	_ =	swait.ge [sflag:s31], $0x100  }
0xac: {  	[sflag:s31] =	ssyncset.done $0x0  }
0xad: {  	[sflag:s31] =	ssyncadd.s32 $0xFFFFFF00  }
0xae: {  	[bflag:$0x0] =	sbarrier.arrive $0xFFFF  }
0xaf: {  	[tilespmem:s1], [sflag:$0x1] =	stream.linear.gather [spmem:s15], $0x4000, $0x38;
	[tilespmem:$0x1D720] =	vst v63  }
0xb0: {  	_ =	swait.ge [sflag:s31], $0x4000  }
0xb1: {  	[sflag:s31] =	ssyncset.done $0x0  }
0xb2: {  	s20 =	rddreg [dreg:$0x7];
	[sflag:s31] =	ssyncadd.s32 $0xFFFFC000  }
0xb3: {  	[hbm4b:s20+s1] =	stream.linear.scatter [tilespmem:s1], [sflag:$0x1], $0x4000, $0x38;
	[tilespmem:$0x1D720] =	vst v63  }
0xb4: {  	_ =	swait.ge [sflag:s31], $0x4000  }
0xb5: {  	[sflag:s31] =	ssyncset.done $0x0  }
0xb6: {  	[sflag:s31] =	ssyncadd.s32 $0xFFFFC000  }
0xb7: {  	[tilespmem:s1], [sflag:$0x1] =	stream.linear.gather [spmem:s17], $0x4000, $0x38;
	[tilespmem:$0x1D720] =	vst v63  }
0xb8: {  	_ =	swait.ge [sflag:s31], $0x4000  }
0xb9: {  	[sflag:s31] =	ssyncset.done $0x0  }
0xba: {  	s22 =	rddreg [dreg:$0x8];
	[sflag:s31] =	ssyncadd.s32 $0xFFFFC000  }
0xbb: {  	[hbm4b:s22+s1] =	stream.linear.scatter [tilespmem:s1], [sflag:$0x1], $0x4000, $0x38;
	[tilespmem:$0x1D720] =	vst v63  }
0xbc: {  	_ =	swait.ge [sflag:s31], $0x4000  }
0xbd: {  	[sflag:s31] =	ssyncset.done $0x0  }
0xbe: {  	[sflag:s31] =	ssyncadd.s32 $0xFFFFC000  }
0xbf: {  	[tilespmem:s1], [sflag:$0x1] =	stream.linear.gather [spmem:s19], $0x4000, $0x38;
	[tilespmem:$0x1D720] =	vst v63  }
0xc0: {  	_ =	swait.ge [sflag:s31], $0x4000  }
0xc1: {  	[sflag:s31] =	ssyncset.done $0x0  }
0xc2: {  	s13 =	rddreg [dreg:$0x9];
	[sflag:s31] =	ssyncadd.s32 $0xFFFFC000  }
0xc3: {  	[hbm4b:s13+s1] =	stream.linear.scatter [tilespmem:s1], [sflag:$0x1], $0x4000, $0x38;
	[tilespmem:$0x1D720] =	vst v63  }
0xc4: {  	_ =	swait.ge [sflag:s31], $0x4000  }
0xc5: {  	[sflag:s31] =	ssyncset.done $0x0  }
0xc6: {  	[sflag:s31] =	ssyncadd.s32 $0xFFFFC000  }
0xc7: {  	[tilespmem:s1], [sflag:$0x1] =	stream.linear.gather [spmem:s21], $0x4000, $0x38;
	[tilespmem:$0x1D720] =	vst v63  }
0xc8: {  	_ =	swait.ge [sflag:s31], $0x4000  }
0xc9: {  	[sflag:s31] =	ssyncset.done $0x0  }
0xca: {  	s18 =	rddreg [dreg:$0xa];
	[sflag:s31] =	ssyncadd.s32 $0xFFFFC000  }
0xcb: {  	[hbm4b:s18+s1] =	stream.linear.scatter [tilespmem:s1], [sflag:$0x1], $0x4000, $0x38;
	[tilespmem:$0x1D720] =	vst v63  }
0xcc: {  	_ =	swait.ge [sflag:s31], $0x4000  }
0xcd: {  	[sflag:s31] =	ssyncset.done $0x0  }
0xce: {  	[sflag:s31] =	ssyncadd.s32 $0xFFFFC000  }
0xcf: {  	[tilespmem:s1], [sflag:$0x1] =	stream.linear.gather [spmem:s23], $0x3800, $0x38;
	[tilespmem:$0x1D720] =	vst v63  }
0xd0: {  	_ =	swait.ge [sflag:s31], $0x3800  }
0xd1: {  	[sflag:s31] =	ssyncset.done $0x0  }
0xd2: {  	s20 =	rddreg [dreg:$0xb];
	[sflag:s31] =	ssyncadd.s32 $0xFFFFC800  }
0xd3: {  	[hbm4b:s20+s1] =	stream.linear.scatter [tilespmem:s1], [sflag:$0x1], $0x3800, $0x38;
	[tilespmem:$0x1D720] =	vst v63  }
0xd4: {  	_ =	swait.ge [sflag:s31], $0x3800  }
0xd5: {  	[sflag:s31] =	ssyncset.done $0x0  }
0xd6: {  	[sflag:s31] =	ssyncadd.s32 $0xFFFFC800  }
0xd7: {  	[tilespmem:s6], [sflag:$0x1] =	stream.linear.gather [spmem:s16], $0x2700, $0x38;
	[tilespmem:$0x1D720] =	vst v63  }
0xd8: {  	_ =	swait.ge [sflag:s31], $0x2700  }
0xd9: {  	[sflag:s31] =	ssyncset.done $0x0  }
0xda: {  	s22 =	rddreg [dreg:$0xc];
	[sflag:s31] =	ssyncadd.s32 $0xFFFFD900  }
0xdb: {  	[hbm4b:s22+s1] =	stream.linear.scatter [tilespmem:s6], [sflag:$0x1], $0x2700, $0x38;
	[tilespmem:$0x1D720] =	vst v63  }
0xdc: {  	_ =	swait.ge [sflag:s31], $0x2700  }
0xdd: {  	[sflag:s31] =	ssyncset.done $0x0  }
0xde: {  	s8 =	simm.s32 @!p0 $0x0;
	s13 =	simm.s32 @!p0 $0x1;
	[sflag:s31] =	ssyncadd.s32 $0xFFFFD900  }
0xdf: {  	[tilespmem:s8], [sflag:$0x1] =	stream.linear.gather @!p0 [spmem:s29], $0x800, $0x38;
	[tilespmem:$0x1D720] =	vst v63  }
0xe0: {  	_ =	swait.ge @!p0 [sflag:s13], $0x800  }
0xe1: {  	[sflag:s13] =	ssyncset.done @!p0 $0x0  }
0xe2: {  	[sflag:s13] =	ssyncadd.s32 @!p0 $0xFFFFF800  }
0xe3: {  	[hbm4b:s25+s8] =	stream.linear.scatter @!p0 [tilespmem:s8], [sflag:$0x1], $0x800, $0x38;
	[tilespmem:$0x1D720] =	vst v63  }
0xe4: {  	_ =	swait.ge @!p0 [sflag:s13], $0x800  }
0xe5: {  	[sflag:s13] =	ssyncset.done @!p0 $0x0  }
0xe6: {  	s18 =	simm.s32 @!p0 $0x5090;
	[sflag:s13] =	ssyncadd.s32 @!p0 $0xFFFFF800  }
0xe7: {  	[tilespmem:s18], [sflag:$0x1] =	stream.linear.gather @!p0 [spmem:s30], $0x100, $0x38;
	[tilespmem:$0x1D720] =	vst v63  }
0xe8: {  	s7 =	sadd.s32 $0x1, s7;
	_ =	swait.ge @!p0 [sflag:s13], $0x100  }
0xe9: {  	p1 =	sne.s32 s7, s28;
	[sflag:s13] =	ssyncset.done @!p0 $0x0  }
.Ltmp2:
0xea: {  	[sflag:s13] =	ssyncadd.s32 @!p0 $0xFFFFFF00;
	(pc) =	sbr.rel @p1 .LBB2_1-.Ltmp2, $4  }
0xeb: {  	[hbm4b:s26+s8] =	stream.linear.scatter @!p0 [tilespmem:s18], [sflag:$0x1], $0x100, $0x38;
	[tilespmem:$0x1D720] =	vst v63  }
0xec: {  	_ =	swait.ge @!p0 [sflag:s13], $0x100  }
0xed: {  	[sflag:s13] =	ssyncset.done @!p0 $0x0  }
0xee: {  	[sflag:s13] =	ssyncadd.s32 @!p0 $0xFFFFFF00  }
0xef: {  	_ =	sfence.sel $0x180000  }
0xf0: {  	[bflag:$0x0] =	sbarrier.arrive $0xFFFF  }
0xf1: {  	_ =	strace $0x90000047  }
0xf2: {  	s0 =	stileid.u32;
	[bflag:$0x2] =	sbarrier.arrive $0xFFFF  }
0xf3: {  	p0 =	sne.s32 s0, $0x0;
	s0 =	rddreg [dreg:$0x6]  }
0xf4: {  	s0 =	sadd.s32 @!p0 $0x100000, s0  }
0xf5: {  	[sflag:s0] =	ssyncadd.tile.s32 @!p0 $0x1;
	_ =	shalt  }
.Lfunc_end2:
_tile_overlayer_lowered:
.L_overlay_start_2:
0xf6: {  	(tag) =	ssettag $0x2  }
0xf7: {  	s0 =	rddreg [dreg:$0x0];
	s2 =	stileid.u32  }
0xf8: {  	s1 =	rddreg [dreg:$0x1];
	p0 =	sne.s32 s2, $0x0  }
0xf9: {  	s3 =	rddreg [dreg:$0x2];
	[bflag:$0x3] =	sbarrier.arrive $0xFFFF;
	s2 =	simm.s32 @!p0 $0x1C01  }
0xfa: {  	[timem:s3], [sflag:s2] =	dma.local @!p0 [hbm:s0], s1  }
0xfb: {  	s0 =	simm.s32 @!p0 $0x1  }
0xfc: {  	_ =	swait.ge @!p0 [sflag:s0], s1  }
0xfd: {  	s1 =	ssub.s32 @!p0 $0x0, s1;
	[sflag:s0] =	ssyncset.done @!p0 $0x0  }
0xfe: {  	[sflag:s0] =	ssyncadd.s32 @!p0 s1  }
0xff: {  	[bflag:$0x3] =	sbarrier.arrive $0xFFFF  }
0x100: {  	_ =	shalt  }

</sc_bundles>
